<compile_context>
chip_gen: v7x
topology: tpu7x:2x2x1
jax: 0.10.2.dev20260603
libtpu: 0.0.44.dev20260713+nightly
codegen_flags: <defaults>
</compile_context>

<pallas_src>
import functools

import jax
import jax.numpy as jnp
from jax import lax
from jax.experimental import pallas as pl
from jax.experimental.pallas import tpu as pltpu
from jax.experimental.pallas import tpu_sc as plsc

BATCH = 1024
ROW = 1024
PAIRS = 512
NCLS = 7

_NC = 2
_NS = 16
_NW = _NC * _NS
_ROWS_PER_W = BATCH // _NW
_CHUNK = _ROWS_PER_W * ROW
_VECS = _CHUNK // 16


def _sc_gather_body(x_hbm, idx_hbm, out_hbm, xv, iv, ov):
    wid = lax.axis_index("s") * _NC + lax.axis_index("c")
    r0 = wid * _ROWS_PER_W
    pltpu.sync_copy(x_hbm.at[pl.ds(r0, _ROWS_PER_W)], xv)
    pltpu.sync_copy(idx_hbm.at[pl.ds(r0, _ROWS_PER_W)], iv)

    def row_body(r, carry):
        rv = jnp.full((16,), r, dtype=jnp.int32)
        for t in range(ROW // 16):
            sl = pl.ds(t * 16, 16)
            ov[r, sl] = plsc.load_gather(xv, [rv, iv[r, sl]])
        return carry

    lax.fori_loop(0, _ROWS_PER_W, row_body, 0)
    pltpu.sync_copy(ov, out_hbm.at[pl.ds(r0, _ROWS_PER_W)])


@functools.cache
def _sc_gather():
    return pl.kernel(
        _sc_gather_body,
        mesh=plsc.VectorSubcoreMesh(
            core_axis_name="c", subcore_axis_name="s",
            num_cores=_NC, num_subcores=_NS),
        out_type=jax.ShapeDtypeStruct((BATCH, ROW), jnp.float32),
        compiler_params=pltpu.CompilerParams(needs_layout_passes=False),
        scratch_types=[
            pltpu.VMEM((_ROWS_PER_W, ROW), jnp.float32),
            pltpu.VMEM((_ROWS_PER_W, ROW), jnp.int32),
            pltpu.VMEM((_ROWS_PER_W, ROW), jnp.float32),
        ],
    )


_S = 64


def _tc_body(gv_ref, a2_ref, b2_ref, o_ref):
    px0 = gv_ref[:, :PAIRS]
    px1 = gv_ref[:, PAIRS:]
    c0 = jnp.cos(px0)
    s0 = jnp.sin(px0)
    c1 = jnp.cos(px1)
    s1 = jnp.sin(px1)
    tb = s0 * s1
    o1v = 0.5 + 0.5 * (c0 * c1)
    o1_4 = o1v.reshape(_S, 4, 128)
    for i in range(NCLS):
        a = a2_ref[i][None, :]
        b = b2_ref[i][None, :]
        o0c = 0.5 + a * c0 - b * tb
        o0_4 = o0c.reshape(_S, 4, 128)
        o_ref[:, i, :, :] = jnp.stack([o0_4, o1_4], axis=2).reshape(_S, 8, 128)


def kernel(x, rz_params, ry_params, fixed_pair_indices, random_pair_indices):
    B = x.shape[0]
    f0 = fixed_pair_indices[:, 0].astype(jnp.int32)
    f1 = fixed_pair_indices[:, 1].astype(jnp.int32)
    r0 = random_pair_indices[:, :, 0].astype(jnp.int32)
    r1 = random_pair_indices[:, :, 1].astype(jnp.int32)
    f0b = jnp.broadcast_to(f0[None, :], (B, f0.shape[0]))
    f1b = jnp.broadcast_to(f1[None, :], (B, f1.shape[0]))
    gidx = jnp.concatenate([f0b, r0, f1b, r1], axis=1)

    gv = _sc_gather()(x.reshape(B, ROW), gidx)

    cf = 0.5 * jnp.cos(ry_params)
    sfct = 0.5 * jnp.sin(ry_params) * jnp.cos(rz_params)
    a2 = jnp.broadcast_to(cf[:, None], (NCLS, PAIRS)).astype(jnp.float32)
    b2 = jnp.broadcast_to(sfct[:, None], (NCLS, PAIRS)).astype(jnp.float32)

    o4 = pl.pallas_call(
        _tc_body,
        grid=(B // _S,),
        in_specs=[
            pl.BlockSpec((_S, ROW), lambda i: (i, 0)),
            pl.BlockSpec((NCLS, PAIRS), lambda i: (0, 0)),
            pl.BlockSpec((NCLS, PAIRS), lambda i: (0, 0)),
        ],
        out_specs=pl.BlockSpec((_S, NCLS, 8, 128), lambda i: (i, 0, 0, 0)),
        out_shape=jax.ShapeDtypeStruct((B, NCLS, 8, 128), jnp.float32),
    )(gv, a2, b2)

    out = o4.reshape(B, NCLS, 4, 2, 128)
    out = jnp.transpose(out, (0, 1, 2, 4, 3))
    return out.reshape(B, NCLS, PAIRS, 2)

# --- scband reference (transcript-rebuilt; emitter-appended) ---
"""Pipeline reference for scband-joint-membership-fuzzy-layer-jaffe-no-pool-89816356094189 (READ-ONLY COPY).

The authoritative reference and input builder live on the scoring server;
editing this copy changes nothing except your own understanding.
"""

import jax, jax.numpy as jnp
import numpy as np

POOLED = 32
BLOCK_SIZES = [0, 11, 21, 32]
NUM_CLASSES = 7
N_RANDOM = 154
TOTAL_PAIRS = 512
N_FIXED = TOTAL_PAIRS - N_RANDOM
BATCH = 1024


def _build_indices():
    # block pixel partition (3x3 grid on 32x32 map)
    blocks = []
    for br in range(3):
        for bc in range(3):
            px = []
            for r in range(BLOCK_SIZES[br], BLOCK_SIZES[br + 1]):
                for c in range(BLOCK_SIZES[bc], BLOCK_SIZES[bc + 1]):
                    px.append(r * POOLED + c)
            blocks.append(np.array(px, dtype=np.int64))
    # all intra-block adjacent pairs (horizontal + vertical)
    all_pairs = []
    for bid in range(9):
        br, bc = bid // 3, bid % 3
        rs, re = BLOCK_SIZES[br], BLOCK_SIZES[br + 1]
        cs, ce = BLOCK_SIZES[bc], BLOCK_SIZES[bc + 1]
        for r in range(rs, re):
            for c in range(cs, ce - 1):
                all_pairs.append((r * POOLED + c, r * POOLED + c + 1))
        for r in range(rs, re - 1):
            for c in range(cs, ce):
                all_pairs.append((r * POOLED + c, (r + 1) * POOLED + c))
    rng = np.random.default_rng(42)
    perm = rng.permutation(len(all_pairs))[:N_FIXED]
    fixed = np.array([all_pairs[i] for i in perm], dtype=np.int64)  # [N_FIXED, 2]
    # inter-block pairs (horizontal, vertical, diagonal-through-center)
    inter = []
    for row in range(3):
        for col in range(2):
            inter.append([row * 3 + col, row * 3 + col + 1])
    for row in range(2):
        for col in range(3):
            inter.append([row * 3 + col, (row + 1) * 3 + col])
    inter += [[0, 4], [1, 4], [2, 4], [3, 4], [5, 4], [4, 6], [4, 7], [4, 8]]
    # random sampling plan (deterministic materialization of the runtime randint)
    nbp = len(inter)
    per = N_RANDOM // nbp
    rem = N_RANDOM % nbp
    rnd_list = []
    for i, (b1, b2) in enumerate(inter):
        n = per + (1 if i < rem else 0)
        if n <= 0:
            continue
        i1 = rng.integers(0, len(blocks[b1]), size=(BATCH, n))
        i2 = rng.integers(0, len(blocks[b2]), size=(BATCH, n))
        rnd_list.append(np.stack([blocks[b1][i1], blocks[b2][i2]], axis=-1))
    rnd = np.concatenate(rnd_list, axis=1)  # [BATCH, N_RANDOM, 2]
    return fixed, rnd


def setup_inputs(seed: int = 0) -> dict:
    key = jax.random.key(seed)
    k1, k2, k3 = jax.random.split(key, 3)
    x = jax.random.uniform(k1, (BATCH, POOLED, POOLED), dtype=jnp.float32)
    fixed, rnd = _build_indices()
    rz_params = jax.random.normal(k2, (NUM_CLASSES,), dtype=jnp.float32) * 0.1
    ry_params = jax.random.normal(k3, (NUM_CLASSES,), dtype=jnp.float32) * 0.1
    return {
        "x": x,
        "rz_params": rz_params,
        "ry_params": ry_params,
        "fixed_pair_indices": jnp.asarray(fixed),
        "random_pair_indices": jnp.asarray(rnd),
    }


def _circuit(pairs, theta_rz, theta_ry):
    # pairs: [..., 2]; 2-qubit statevector simulation with real/imag parts.
    x0 = pairs[..., 0]
    x1 = pairs[..., 1]
    c0 = jnp.cos(x0 / 2); s0 = jnp.sin(x0 / 2)
    c1 = jnp.cos(x1 / 2); s1 = jnp.sin(x1 / 2)
    # after encoder RY(x0) wire0, RY(x1) wire1 on |00>: real amplitudes
    r0 = c0 * c1; r1 = c0 * s1; r2 = s0 * c1; r3 = s0 * s1
    ct = jnp.cos(theta_rz / 2); st = jnp.sin(theta_rz / 2)
    # RZ(theta_rz) on wire0: bit0=0 -> e^{-i t/2}, bit0=1 -> e^{+i t/2}
    a0 = (r0 * ct, -r0 * st)
    a1 = (r1 * ct, -r1 * st)
    a2 = (r2 * ct, r2 * st)
    a3 = (r3 * ct, r3 * st)
    # CNOT(control=0, target=1): swap indices 2 and 3
    a2, a3 = a3, a2
    # RY(theta_ry) on wire0: mixes (0,2) and (1,3)
    cf = jnp.cos(theta_ry / 2); sf = jnp.sin(theta_ry / 2)
    b0 = (cf * a0[0] - sf * a2[0], cf * a0[1] - sf * a2[1])
    b2 = (sf * a0[0] + cf * a2[0], sf * a0[1] + cf * a2[1])
    b1 = (cf * a1[0] - sf * a3[0], cf * a1[1] - sf * a3[1])
    b3 = (sf * a1[0] + cf * a3[0], sf * a1[1] + cf * a3[1])
    p0 = b0[0] ** 2 + b0[1] ** 2
    p1 = b1[0] ** 2 + b1[1] ** 2
    p2 = b2[0] ** 2 + b2[1] ** 2
    p3 = b3[0] ** 2 + b3[1] ** 2
    z0 = p0 + p1 - p2 - p3
    z1 = p0 - p1 + p2 - p3
    return jnp.stack([(z0 + 1) / 2, (z1 + 1) / 2], axis=-1)


def reference(x, rz_params, ry_params, fixed_pair_indices, random_pair_indices):
    B = x.shape[0]
    x_flat = x.reshape(B, -1)  # [B, 1024]
    # fixed intra-block pairs: gather with shared indices
    fixed_pixels = x_flat[:, fixed_pair_indices]  # [B, N_FIXED, 2]
    # random inter-block pairs: per-batch gather
    rnd_flat_idx = random_pair_indices.reshape(B, -1)
    rnd_pixels = jnp.take_along_axis(x_flat, rnd_flat_idx, axis=1).reshape(B, -1, 2)
    all_pairs = jnp.concatenate([fixed_pixels, rnd_pixels], axis=1)  # [B, 512, 2]
    outs = []
    for i in range(NUM_CLASSES):
        outs.append(_circuit(all_pairs, rz_params[i], ry_params[i]))  # [B, 512, 2]
    return jnp.stack(outs, axis=1)  # [B, NUM_CLASSES, 512, 2]

if __name__ == "__main__":
    import jax
    _d = setup_inputs()
    print(jax.jit(kernel)(*tuple(_d.values())))

</pallas_src>

<mosaic_0001>
#map = affine_map<(d0, d1) -> (0, 0)>
module attributes {stable_mosaic.version = 14 : i64} {
  func.func @_sc_gather_body(%arg0: i32, %arg1: i32, %arg2: memref<1024x1024xf32, #tpu.memory_space<hbm>>, %arg3: memref<1024x1024xi32, #tpu.memory_space<hbm>>, %arg4: memref<1024x1024xf32, #tpu.memory_space<hbm>>, %arg5: memref<32x1024xf32, #tpu.memory_space<vmem>>, %arg6: memref<32x1024xi32, #tpu.memory_space<vmem>>, %arg7: memref<32x1024xf32, #tpu.memory_space<vmem>>) attributes {dimension_semantics = [#tpu.dimension_semantics<core_parallel>, #tpu.dimension_semantics<subcore_parallel>], iteration_bounds = array<i64: 2, 16>, scalar_prefetch = 0 : i64, scratch_operands = 3 : i64, tpu.core_type = #tpu.core_type<sc_vector_subcore>, window_params = [{transform_indices = #map}, {transform_indices = #map}, {transform_indices = #map}]} {
    %mul3A = arith.constant 2 : i32
    %mul3A_0 = arith.muli %arg1, %mul3A : i32
    %add3A = arith.addi %mul3A_0, %arg0 : i32
    %mul3A_1 = arith.constant 32 : i32
    %mul3A_2 = arith.muli %add3A, %mul3A_1 : i32
    "tpu.region"() ({
      %run_scoped3A = tpu.sem_alloc : memref<!tpu.dma_semaphore, #tpu.memory_space<semaphore_mem>>
      %dma_start3A = arith.constant 0 : i32
      %dma_start3A_8 = tpu.memref_slice %arg2[%mul3A_2, %dma_start3A] : memref<1024x1024xf32, #tpu.memory_space<hbm>> -> memref<32x1024xf32, #tpu.memory_space<hbm>>
      %dma_start3A_9 = arith.constant 0 : i32
      %dma_start3A_10 = tpu.memref_slice %arg2[%mul3A_2, %dma_start3A_9] : memref<1024x1024xf32, #tpu.memory_space<hbm>> -> memref<32x1024xf32, #tpu.memory_space<hbm>>
      tpu.enqueue_dma source(%dma_start3A_10 : memref<32x1024xf32, #tpu.memory_space<hbm>>) target(%arg5 : memref<32x1024xf32, #tpu.memory_space<vmem>>) target_semaphore(%run_scoped3A : memref<!tpu.dma_semaphore, #tpu.memory_space<semaphore_mem>>)
      %dma_wait3A = arith.constant 0 : i32
      %dma_wait3A_11 = tpu.memref_slice %arg2[%mul3A_2, %dma_wait3A] : memref<1024x1024xf32, #tpu.memory_space<hbm>> -> memref<32x1024xf32, #tpu.memory_space<hbm>>
      %dma_wait3A_12 = arith.constant 0 : i32
      %dma_wait3A_13 = tpu.memref_slice %arg2[%mul3A_2, %dma_wait3A_12] : memref<1024x1024xf32, #tpu.memory_space<hbm>> -> memref<32x1024xf32, #tpu.memory_space<hbm>>
      tpu.wait_dma2 semaphore(%run_scoped3A : memref<!tpu.dma_semaphore, #tpu.memory_space<semaphore_mem>>) src(%dma_wait3A_13 : memref<32x1024xf32, #tpu.memory_space<hbm>>) dst(%arg5 : memref<32x1024xf32, #tpu.memory_space<vmem>>)
      tpu.yield
    }) : () -> ()
    "tpu.region"() ({
      %run_scoped3A = tpu.sem_alloc : memref<!tpu.dma_semaphore, #tpu.memory_space<semaphore_mem>>
      %dma_start3A = arith.constant 0 : i32
      %dma_start3A_8 = tpu.memref_slice %arg3[%mul3A_2, %dma_start3A] : memref<1024x1024xi32, #tpu.memory_space<hbm>> -> memref<32x1024xi32, #tpu.memory_space<hbm>>
      %dma_start3A_9 = arith.constant 0 : i32
      %dma_start3A_10 = tpu.memref_slice %arg3[%mul3A_2, %dma_start3A_9] : memref<1024x1024xi32, #tpu.memory_space<hbm>> -> memref<32x1024xi32, #tpu.memory_space<hbm>>
      tpu.enqueue_dma source(%dma_start3A_10 : memref<32x1024xi32, #tpu.memory_space<hbm>>) target(%arg6 : memref<32x1024xi32, #tpu.memory_space<vmem>>) target_semaphore(%run_scoped3A : memref<!tpu.dma_semaphore, #tpu.memory_space<semaphore_mem>>)
      %dma_wait3A = arith.constant 0 : i32
      %dma_wait3A_11 = tpu.memref_slice %arg3[%mul3A_2, %dma_wait3A] : memref<1024x1024xi32, #tpu.memory_space<hbm>> -> memref<32x1024xi32, #tpu.memory_space<hbm>>
      %dma_wait3A_12 = arith.constant 0 : i32
      %dma_wait3A_13 = tpu.memref_slice %arg3[%mul3A_2, %dma_wait3A_12] : memref<1024x1024xi32, #tpu.memory_space<hbm>> -> memref<32x1024xi32, #tpu.memory_space<hbm>>
      tpu.wait_dma2 semaphore(%run_scoped3A : memref<!tpu.dma_semaphore, #tpu.memory_space<semaphore_mem>>) src(%dma_wait3A_13 : memref<32x1024xi32, #tpu.memory_space<hbm>>) dst(%arg6 : memref<32x1024xi32, #tpu.memory_space<vmem>>)
      tpu.yield
    }) : () -> ()
    %scan3A = arith.constant 0 : i32
    %scan3A_3 = arith.constant 0 : i32
    %scan3A_4 = arith.constant 32 : i32
    %scan3A_5 = arith.addi %scan3A_3, %scan3A_4 : i32
    %scan3A_6 = arith.constant 1 : i32
    scf.for %scan3A_8 = %scan3A_3 to %scan3A_5 step %scan3A_6  : i32 {
      %broadcast_in_dim3A = vector.broadcast %scan3A_8 : i32 to vector<16xi32>
      %get3A = arith.index_cast %scan3A_8 : i32 to index
      %get3A_9 = arith.constant 0 : index
      %get3A_10 = tpu.vector_load %arg6[%get3A, %get3A_9] {strides = array<i32>} : memref<32x1024xi32, #tpu.memory_space<vmem>>, vector<16xi32>,
      %gather3A = tpu.vector_load_idx %arg5[%broadcast_in_dim3A, %get3A_10] : memref<32x1024xf32, #tpu.memory_space<vmem>>[vector<16xi32>, vector<16xi32>], vector<16xf32>,
      %swap3A = arith.index_cast %scan3A_8 : i32 to index
      %swap3A_11 = arith.constant 0 : index
      %swap3A_12 = tpu.vector_load %arg7[%swap3A, %swap3A_11] {strides = array<i32>} : memref<32x1024xf32, #tpu.memory_space<vmem>>, vector<16xf32>,
      tpu.vector_store %arg7[%swap3A, %swap3A_11], %gather3A {strides = array<i32>} : memref<32x1024xf32, #tpu.memory_space<vmem>>, vector<16xf32>,
      %get3A_13 = arith.index_cast %scan3A_8 : i32 to index
      %get3A_14 = arith.constant 16 : index
      %get3A_15 = tpu.vector_load %arg6[%get3A_13, %get3A_14] {strides = array<i32>} : memref<32x1024xi32, #tpu.memory_space<vmem>>, vector<16xi32>,
      %gather3A_16 = tpu.vector_load_idx %arg5[%broadcast_in_dim3A, %get3A_15] : memref<32x1024xf32, #tpu.memory_space<vmem>>[vector<16xi32>, vector<16xi32>], vector<16xf32>,
      %swap3A_17 = arith.index_cast %scan3A_8 : i32 to index
      %swap3A_18 = arith.constant 16 : index
      %swap3A_19 = tpu.vector_load %arg7[%swap3A_17, %swap3A_18] {strides = array<i32>} : memref<32x1024xf32, #tpu.memory_space<vmem>>, vector<16xf32>,
      tpu.vector_store %arg7[%swap3A_17, %swap3A_18], %gather3A_16 {strides = array<i32>} : memref<32x1024xf32, #tpu.memory_space<vmem>>, vector<16xf32>,
      %get3A_20 = arith.index_cast %scan3A_8 : i32 to index
      %get3A_21 = arith.constant 32 : index
      %get3A_22 = tpu.vector_load %arg6[%get3A_20, %get3A_21] {strides = array<i32>} : memref<32x1024xi32, #tpu.memory_space<vmem>>, vector<16xi32>,
      %gather3A_23 = tpu.vector_load_idx %arg5[%broadcast_in_dim3A, %get3A_22] : memref<32x1024xf32, #tpu.memory_space<vmem>>[vector<16xi32>, vector<16xi32>], vector<16xf32>,
      %swap3A_24 = arith.index_cast %scan3A_8 : i32 to index
      %swap3A_25 = arith.constant 32 : index
      %swap3A_26 = tpu.vector_load %arg7[%swap3A_24, %swap3A_25] {strides = array<i32>} : memref<32x1024xf32, #tpu.memory_space<vmem>>, vector<16xf32>,
      tpu.vector_store %arg7[%swap3A_24, %swap3A_25], %gather3A_23 {strides = array<i32>} : memref<32x1024xf32, #tpu.memory_space<vmem>>, vector<16xf32>,
      %get3A_27 = arith.index_cast %scan3A_8 : i32 to index
      %get3A_28 = arith.constant 48 : index
      %get3A_29 = tpu.vector_load %arg6[%get3A_27, %get3A_28] {strides = array<i32>} : memref<32x1024xi32, #tpu.memory_space<vmem>>, vector<16xi32>,
      %gather3A_30 = tpu.vector_load_idx %arg5[%broadcast_in_dim3A, %get3A_29] : memref<32x1024xf32, #tpu.memory_space<vmem>>[vector<16xi32>, vector<16xi32>], vector<16xf32>,
      %swap3A_31 = arith.index_cast %scan3A_8 : i32 to index
      %swap3A_32 = arith.constant 48 : index
      %swap3A_33 = tpu.vector_load %arg7[%swap3A_31, %swap3A_32] {strides = array<i32>} : memref<32x1024xf32, #tpu.memory_space<vmem>>, vector<16xf32>,
      tpu.vector_store %arg7[%swap3A_31, %swap3A_32], %gather3A_30 {strides = array<i32>} : memref<32x1024xf32, #tpu.memory_space<vmem>>, vector<16xf32>,
      %get3A_34 = arith.index_cast %scan3A_8 : i32 to index
      %get3A_35 = arith.constant 64 : index
      %get3A_36 = tpu.vector_load %arg6[%get3A_34, %get3A_35] {strides = array<i32>} : memref<32x1024xi32, #tpu.memory_space<vmem>>, vector<16xi32>,
      %gather3A_37 = tpu.vector_load_idx %arg5[%broadcast_in_dim3A, %get3A_36] : memref<32x1024xf32, #tpu.memory_space<vmem>>[vector<16xi32>, vector<16xi32>], vector<16xf32>,
      %swap3A_38 = arith.index_cast %scan3A_8 : i32 to index
      %swap3A_39 = arith.constant 64 : index
      %swap3A_40 = tpu.vector_load %arg7[%swap3A_38, %swap3A_39] {strides = array<i32>} : memref<32x1024xf32, #tpu.memory_space<vmem>>, vector<16xf32>,
      tpu.vector_store %arg7[%swap3A_38, %swap3A_39], %gather3A_37 {strides = array<i32>} : memref<32x1024xf32, #tpu.memory_space<vmem>>, vector<16xf32>,
      %get3A_41 = arith.index_cast %scan3A_8 : i32 to index
      %get3A_42 = arith.constant 80 : index
      %get3A_43 = tpu.vector_load %arg6[%get3A_41, %get3A_42] {strides = array<i32>} : memref<32x1024xi32, #tpu.memory_space<vmem>>, vector<16xi32>,
      %gather3A_44 = tpu.vector_load_idx %arg5[%broadcast_in_dim3A, %get3A_43] : memref<32x1024xf32, #tpu.memory_space<vmem>>[vector<16xi32>, vector<16xi32>], vector<16xf32>,
      %swap3A_45 = arith.index_cast %scan3A_8 : i32 to index
      %swap3A_46 = arith.constant 80 : index
      %swap3A_47 = tpu.vector_load %arg7[%swap3A_45, %swap3A_46] {strides = array<i32>} : memref<32x1024xf32, #tpu.memory_space<vmem>>, vector<16xf32>,
      tpu.vector_store %arg7[%swap3A_45, %swap3A_46], %gather3A_44 {strides = array<i32>} : memref<32x1024xf32, #tpu.memory_space<vmem>>, vector<16xf32>,
      %get3A_48 = arith.index_cast %scan3A_8 : i32 to index
      %get3A_49 = arith.constant 96 : index
      %get3A_50 = tpu.vector_load %arg6[%get3A_48, %get3A_49] {strides = array<i32>} : memref<32x1024xi32, #tpu.memory_space<vmem>>, vector<16xi32>,
      %gather3A_51 = tpu.vector_load_idx %arg5[%broadcast_in_dim3A, %get3A_50] : memref<32x1024xf32, #tpu.memory_space<vmem>>[vector<16xi32>, vector<16xi32>], vector<16xf32>,
      %swap3A_52 = arith.index_cast %scan3A_8 : i32 to index
      %swap3A_53 = arith.constant 96 : index
      %swap3A_54 = tpu.vector_load %arg7[%swap3A_52, %swap3A_53] {strides = array<i32>} : memref<32x1024xf32, #tpu.memory_space<vmem>>, vector<16xf32>,
      tpu.vector_store %arg7[%swap3A_52, %swap3A_53], %gather3A_51 {strides = array<i32>} : memref<32x1024xf32, #tpu.memory_space<vmem>>, vector<16xf32>,
      %get3A_55 = arith.index_cast %scan3A_8 : i32 to index
      %get3A_56 = arith.constant 112 : index
      %get3A_57 = tpu.vector_load %arg6[%get3A_55, %get3A_56] {strides = array<i32>} : memref<32x1024xi32, #tpu.memory_space<vmem>>, vector<16xi32>,
      %gather3A_58 = tpu.vector_load_idx %arg5[%broadcast_in_dim3A, %get3A_57] : memref<32x1024xf32, #tpu.memory_space<vmem>>[vector<16xi32>, vector<16xi32>], vector<16xf32>,
      %swap3A_59 = arith.index_cast %scan3A_8 : i32 to index
      %swap3A_60 = arith.constant 112 : index
      %swap3A_61 = tpu.vector_load %arg7[%swap3A_59, %swap3A_60] {strides = array<i32>} : memref<32x1024xf32, #tpu.memory_space<vmem>>, vector<16xf32>,
      tpu.vector_store %arg7[%swap3A_59, %swap3A_60], %gather3A_58 {strides = array<i32>} : memref<32x1024xf32, #tpu.memory_space<vmem>>, vector<16xf32>,
      %get3A_62 = arith.index_cast %scan3A_8 : i32 to index
      %get3A_63 = arith.constant 128 : index
      %get3A_64 = tpu.vector_load %arg6[%get3A_62, %get3A_63] {strides = array<i32>} : memref<32x1024xi32, #tpu.memory_space<vmem>>, vector<16xi32>,
      %gather3A_65 = tpu.vector_load_idx %arg5[%broadcast_in_dim3A, %get3A_64] : memref<32x1024xf32, #tpu.memory_space<vmem>>[vector<16xi32>, vector<16xi32>], vector<16xf32>,
      %swap3A_66 = arith.index_cast %scan3A_8 : i32 to index
      %swap3A_67 = arith.constant 128 : index
      %swap3A_68 = tpu.vector_load %arg7[%swap3A_66, %swap3A_67] {strides = array<i32>} : memref<32x1024xf32, #tpu.memory_space<vmem>>, vector<16xf32>,
      tpu.vector_store %arg7[%swap3A_66, %swap3A_67], %gather3A_65 {strides = array<i32>} : memref<32x1024xf32, #tpu.memory_space<vmem>>, vector<16xf32>,
      %get3A_69 = arith.index_cast %scan3A_8 : i32 to index
      %get3A_70 = arith.constant 144 : index
      %get3A_71 = tpu.vector_load %arg6[%get3A_69, %get3A_70] {strides = array<i32>} : memref<32x1024xi32, #tpu.memory_space<vmem>>, vector<16xi32>,
      %gather3A_72 = tpu.vector_load_idx %arg5[%broadcast_in_dim3A, %get3A_71] : memref<32x1024xf32, #tpu.memory_space<vmem>>[vector<16xi32>, vector<16xi32>], vector<16xf32>,
      %swap3A_73 = arith.index_cast %scan3A_8 : i32 to index
      %swap3A_74 = arith.constant 144 : index
      %swap3A_75 = tpu.vector_load %arg7[%swap3A_73, %swap3A_74] {strides = array<i32>} : memref<32x1024xf32, #tpu.memory_space<vmem>>, vector<16xf32>,
      tpu.vector_store %arg7[%swap3A_73, %swap3A_74], %gather3A_72 {strides = array<i32>} : memref<32x1024xf32, #tpu.memory_space<vmem>>, vector<16xf32>,
      %get3A_76 = arith.index_cast %scan3A_8 : i32 to index
      %get3A_77 = arith.constant 160 : index
      %get3A_78 = tpu.vector_load %arg6[%get3A_76, %get3A_77] {strides = array<i32>} : memref<32x1024xi32, #tpu.memory_space<vmem>>, vector<16xi32>,
      %gather3A_79 = tpu.vector_load_idx %arg5[%broadcast_in_dim3A, %get3A_78] : memref<32x1024xf32, #tpu.memory_space<vmem>>[vector<16xi32>, vector<16xi32>], vector<16xf32>,
      %swap3A_80 = arith.index_cast %scan3A_8 : i32 to index
      %swap3A_81 = arith.constant 160 : index
      %swap3A_82 = tpu.vector_load %arg7[%swap3A_80, %swap3A_81] {strides = array<i32>} : memref<32x1024xf32, #tpu.memory_space<vmem>>, vector<16xf32>,
      tpu.vector_store %arg7[%swap3A_80, %swap3A_81], %gather3A_79 {strides = array<i32>} : memref<32x1024xf32, #tpu.memory_space<vmem>>, vector<16xf32>,
      %get3A_83 = arith.index_cast %scan3A_8 : i32 to index
      %get3A_84 = arith.constant 176 : index
      %get3A_85 = tpu.vector_load %arg6[%get3A_83, %get3A_84] {strides = array<i32>} : memref<32x1024xi32, #tpu.memory_space<vmem>>, vector<16xi32>,
      %gather3A_86 = tpu.vector_load_idx %arg5[%broadcast_in_dim3A, %get3A_85] : memref<32x1024xf32, #tpu.memory_space<vmem>>[vector<16xi32>, vector<16xi32>], vector<16xf32>,
      %swap3A_87 = arith.index_cast %scan3A_8 : i32 to index
      %swap3A_88 = arith.constant 176 : index
      %swap3A_89 = tpu.vector_load %arg7[%swap3A_87, %swap3A_88] {strides = array<i32>} : memref<32x1024xf32, #tpu.memory_space<vmem>>, vector<16xf32>,
      tpu.vector_store %arg7[%swap3A_87, %swap3A_88], %gather3A_86 {strides = array<i32>} : memref<32x1024xf32, #tpu.memory_space<vmem>>, vector<16xf32>,
      %get3A_90 = arith.index_cast %scan3A_8 : i32 to index
      %get3A_91 = arith.constant 192 : index
      %get3A_92 = tpu.vector_load %arg6[%get3A_90, %get3A_91] {strides = array<i32>} : memref<32x1024xi32, #tpu.memory_space<vmem>>, vector<16xi32>,
      %gather3A_93 = tpu.vector_load_idx %arg5[%broadcast_in_dim3A, %get3A_92] : memref<32x1024xf32, #tpu.memory_space<vmem>>[vector<16xi32>, vector<16xi32>], vector<16xf32>,
      %swap3A_94 = arith.index_cast %scan3A_8 : i32 to index
      %swap3A_95 = arith.constant 192 : index
      %swap3A_96 = tpu.vector_load %arg7[%swap3A_94, %swap3A_95] {strides = array<i32>} : memref<32x1024xf32, #tpu.memory_space<vmem>>, vector<16xf32>,
      tpu.vector_store %arg7[%swap3A_94, %swap3A_95], %gather3A_93 {strides = array<i32>} : memref<32x1024xf32, #tpu.memory_space<vmem>>, vector<16xf32>,
      %get3A_97 = arith.index_cast %scan3A_8 : i32 to index
      %get3A_98 = arith.constant 208 : index
      %get3A_99 = tpu.vector_load %arg6[%get3A_97, %get3A_98] {strides = array<i32>} : memref<32x1024xi32, #tpu.memory_space<vmem>>, vector<16xi32>,
      %gather3A_100 = tpu.vector_load_idx %arg5[%broadcast_in_dim3A, %get3A_99] : memref<32x1024xf32, #tpu.memory_space<vmem>>[vector<16xi32>, vector<16xi32>], vector<16xf32>,
      %swap3A_101 = arith.index_cast %scan3A_8 : i32 to index
      %swap3A_102 = arith.constant 208 : index
      %swap3A_103 = tpu.vector_load %arg7[%swap3A_101, %swap3A_102] {strides = array<i32>} : memref<32x1024xf32, #tpu.memory_space<vmem>>, vector<16xf32>,
      tpu.vector_store %arg7[%swap3A_101, %swap3A_102], %gather3A_100 {strides = array<i32>} : memref<32x1024xf32, #tpu.memory_space<vmem>>, vector<16xf32>,
      %get3A_104 = arith.index_cast %scan3A_8 : i32 to index
      %get3A_105 = arith.constant 224 : index
      %get3A_106 = tpu.vector_load %arg6[%get3A_104, %get3A_105] {strides = array<i32>} : memref<32x1024xi32, #tpu.memory_space<vmem>>, vector<16xi32>,
      %gather3A_107 = tpu.vector_load_idx %arg5[%broadcast_in_dim3A, %get3A_106] : memref<32x1024xf32, #tpu.memory_space<vmem>>[vector<16xi32>, vector<16xi32>], vector<16xf32>,
      %swap3A_108 = arith.index_cast %scan3A_8 : i32 to index
      %swap3A_109 = arith.constant 224 : index
      %swap3A_110 = tpu.vector_load %arg7[%swap3A_108, %swap3A_109] {strides = array<i32>} : memref<32x1024xf32, #tpu.memory_space<vmem>>, vector<16xf32>,
      tpu.vector_store %arg7[%swap3A_108, %swap3A_109], %gather3A_107 {strides = array<i32>} : memref<32x1024xf32, #tpu.memory_space<vmem>>, vector<16xf32>,
      %get3A_111 = arith.index_cast %scan3A_8 : i32 to index
      %get3A_112 = arith.constant 240 : index
      %get3A_113 = tpu.vector_load %arg6[%get3A_111, %get3A_112] {strides = array<i32>} : memref<32x1024xi32, #tpu.memory_space<vmem>>, vector<16xi32>,
      %gather3A_114 = tpu.vector_load_idx %arg5[%broadcast_in_dim3A, %get3A_113] : memref<32x1024xf32, #tpu.memory_space<vmem>>[vector<16xi32>, vector<16xi32>], vector<16xf32>,
      %swap3A_115 = arith.index_cast %scan3A_8 : i32 to index
      %swap3A_116 = arith.constant 240 : index
      %swap3A_117 = tpu.vector_load %arg7[%swap3A_115, %swap3A_116] {strides = array<i32>} : memref<32x1024xf32, #tpu.memory_space<vmem>>, vector<16xf32>,
      tpu.vector_store %arg7[%swap3A_115, %swap3A_116], %gather3A_114 {strides = array<i32>} : memref<32x1024xf32, #tpu.memory_space<vmem>>, vector<16xf32>,
      %get3A_118 = arith.index_cast %scan3A_8 : i32 to index
      %get3A_119 = arith.constant 256 : index
      %get3A_120 = tpu.vector_load %arg6[%get3A_118, %get3A_119] {strides = array<i32>} : memref<32x1024xi32, #tpu.memory_space<vmem>>, vector<16xi32>,
      %gather3A_121 = tpu.vector_load_idx %arg5[%broadcast_in_dim3A, %get3A_120] : memref<32x1024xf32, #tpu.memory_space<vmem>>[vector<16xi32>, vector<16xi32>], vector<16xf32>,
      %swap3A_122 = arith.index_cast %scan3A_8 : i32 to index
      %swap3A_123 = arith.constant 256 : index
      %swap3A_124 = tpu.vector_load %arg7[%swap3A_122, %swap3A_123] {strides = array<i32>} : memref<32x1024xf32, #tpu.memory_space<vmem>>, vector<16xf32>,
      tpu.vector_store %arg7[%swap3A_122, %swap3A_123], %gather3A_121 {strides = array<i32>} : memref<32x1024xf32, #tpu.memory_space<vmem>>, vector<16xf32>,
      %get3A_125 = arith.index_cast %scan3A_8 : i32 to index
      %get3A_126 = arith.constant 272 : index
      %get3A_127 = tpu.vector_load %arg6[%get3A_125, %get3A_126] {strides = array<i32>} : memref<32x1024xi32, #tpu.memory_space<vmem>>, vector<16xi32>,
      %gather3A_128 = tpu.vector_load_idx %arg5[%broadcast_in_dim3A, %get3A_127] : memref<32x1024xf32, #tpu.memory_space<vmem>>[vector<16xi32>, vector<16xi32>], vector<16xf32>,
      %swap3A_129 = arith.index_cast %scan3A_8 : i32 to index
      %swap3A_130 = arith.constant 272 : index
      %swap3A_131 = tpu.vector_load %arg7[%swap3A_129, %swap3A_130] {strides = array<i32>} : memref<32x1024xf32, #tpu.memory_space<vmem>>, vector<16xf32>,
      tpu.vector_store %arg7[%swap3A_129, %swap3A_130], %gather3A_128 {strides = array<i32>} : memref<32x1024xf32, #tpu.memory_space<vmem>>, vector<16xf32>,
      %get3A_132 = arith.index_cast %scan3A_8 : i32 to index
      %get3A_133 = arith.constant 288 : index
      %get3A_134 = tpu.vector_load %arg6[%get3A_132, %get3A_133] {strides = array<i32>} : memref<32x1024xi32, #tpu.memory_space<vmem>>, vector<16xi32>,
      %gather3A_135 = tpu.vector_load_idx %arg5[%broadcast_in_dim3A, %get3A_134] : memref<32x1024xf32, #tpu.memory_space<vmem>>[vector<16xi32>, vector<16xi32>], vector<16xf32>,
      %swap3A_136 = arith.index_cast %scan3A_8 : i32 to index
      %swap3A_137 = arith.constant 288 : index
      %swap3A_138 = tpu.vector_load %arg7[%swap3A_136, %swap3A_137] {strides = array<i32>} : memref<32x1024xf32, #tpu.memory_space<vmem>>, vector<16xf32>,
      tpu.vector_store %arg7[%swap3A_136, %swap3A_137], %gather3A_135 {strides = array<i32>} : memref<32x1024xf32, #tpu.memory_space<vmem>>, vector<16xf32>,
      %get3A_139 = arith.index_cast %scan3A_8 : i32 to index
      %get3A_140 = arith.constant 304 : index
      %get3A_141 = tpu.vector_load %arg6[%get3A_139, %get3A_140] {strides = array<i32>} : memref<32x1024xi32, #tpu.memory_space<vmem>>, vector<16xi32>,
      %gather3A_142 = tpu.vector_load_idx %arg5[%broadcast_in_dim3A, %get3A_141] : memref<32x1024xf32, #tpu.memory_space<vmem>>[vector<16xi32>, vector<16xi32>], vector<16xf32>,
      %swap3A_143 = arith.index_cast %scan3A_8 : i32 to index
      %swap3A_144 = arith.constant 304 : index
      %swap3A_145 = tpu.vector_load %arg7[%swap3A_143, %swap3A_144] {strides = array<i32>} : memref<32x1024xf32, #tpu.memory_space<vmem>>, vector<16xf32>,
      tpu.vector_store %arg7[%swap3A_143, %swap3A_144], %gather3A_142 {strides = array<i32>} : memref<32x1024xf32, #tpu.memory_space<vmem>>, vector<16xf32>,
      %get3A_146 = arith.index_cast %scan3A_8 : i32 to index
      %get3A_147 = arith.constant 320 : index
      %get3A_148 = tpu.vector_load %arg6[%get3A_146, %get3A_147] {strides = array<i32>} : memref<32x1024xi32, #tpu.memory_space<vmem>>, vector<16xi32>,
      %gather3A_149 = tpu.vector_load_idx %arg5[%broadcast_in_dim3A, %get3A_148] : memref<32x1024xf32, #tpu.memory_space<vmem>>[vector<16xi32>, vector<16xi32>], vector<16xf32>,
      %swap3A_150 = arith.index_cast %scan3A_8 : i32 to index
      %swap3A_151 = arith.constant 320 : index
      %swap3A_152 = tpu.vector_load %arg7[%swap3A_150, %swap3A_151] {strides = array<i32>} : memref<32x1024xf32, #tpu.memory_space<vmem>>, vector<16xf32>,
      tpu.vector_store %arg7[%swap3A_150, %swap3A_151], %gather3A_149 {strides = array<i32>} : memref<32x1024xf32, #tpu.memory_space<vmem>>, vector<16xf32>,
      %get3A_153 = arith.index_cast %scan3A_8 : i32 to index
      %get3A_154 = arith.constant 336 : index
      %get3A_155 = tpu.vector_load %arg6[%get3A_153, %get3A_154] {strides = array<i32>} : memref<32x1024xi32, #tpu.memory_space<vmem>>, vector<16xi32>,
      %gather3A_156 = tpu.vector_load_idx %arg5[%broadcast_in_dim3A, %get3A_155] : memref<32x1024xf32, #tpu.memory_space<vmem>>[vector<16xi32>, vector<16xi32>], vector<16xf32>,
      %swap3A_157 = arith.index_cast %scan3A_8 : i32 to index
      %swap3A_158 = arith.constant 336 : index
      %swap3A_159 = tpu.vector_load %arg7[%swap3A_157, %swap3A_158] {strides = array<i32>} : memref<32x1024xf32, #tpu.memory_space<vmem>>, vector<16xf32>,
      tpu.vector_store %arg7[%swap3A_157, %swap3A_158], %gather3A_156 {strides = array<i32>} : memref<32x1024xf32, #tpu.memory_space<vmem>>, vector<16xf32>,
      %get3A_160 = arith.index_cast %scan3A_8 : i32 to index
      %get3A_161 = arith.constant 352 : index
      %get3A_162 = tpu.vector_load %arg6[%get3A_160, %get3A_161] {strides = array<i32>} : memref<32x1024xi32, #tpu.memory_space<vmem>>, vector<16xi32>,
      %gather3A_163 = tpu.vector_load_idx %arg5[%broadcast_in_dim3A, %get3A_162] : memref<32x1024xf32, #tpu.memory_space<vmem>>[vector<16xi32>, vector<16xi32>], vector<16xf32>,
      %swap3A_164 = arith.index_cast %scan3A_8 : i32 to index
      %swap3A_165 = arith.constant 352 : index
      %swap3A_166 = tpu.vector_load %arg7[%swap3A_164, %swap3A_165] {strides = array<i32>} : memref<32x1024xf32, #tpu.memory_space<vmem>>, vector<16xf32>,
      tpu.vector_store %arg7[%swap3A_164, %swap3A_165], %gather3A_163 {strides = array<i32>} : memref<32x1024xf32, #tpu.memory_space<vmem>>, vector<16xf32>,
      %get3A_167 = arith.index_cast %scan3A_8 : i32 to index
      %get3A_168 = arith.constant 368 : index
      %get3A_169 = tpu.vector_load %arg6[%get3A_167, %get3A_168] {strides = array<i32>} : memref<32x1024xi32, #tpu.memory_space<vmem>>, vector<16xi32>,
      %gather3A_170 = tpu.vector_load_idx %arg5[%broadcast_in_dim3A, %get3A_169] : memref<32x1024xf32, #tpu.memory_space<vmem>>[vector<16xi32>, vector<16xi32>], vector<16xf32>,
      %swap3A_171 = arith.index_cast %scan3A_8 : i32 to index
      %swap3A_172 = arith.constant 368 : index
      %swap3A_173 = tpu.vector_load %arg7[%swap3A_171, %swap3A_172] {strides = array<i32>} : memref<32x1024xf32, #tpu.memory_space<vmem>>, vector<16xf32>,
      tpu.vector_store %arg7[%swap3A_171, %swap3A_172], %gather3A_170 {strides = array<i32>} : memref<32x1024xf32, #tpu.memory_space<vmem>>, vector<16xf32>,
      %get3A_174 = arith.index_cast %scan3A_8 : i32 to index
      %get3A_175 = arith.constant 384 : index
      %get3A_176 = tpu.vector_load %arg6[%get3A_174, %get3A_175] {strides = array<i32>} : memref<32x1024xi32, #tpu.memory_space<vmem>>, vector<16xi32>,
      %gather3A_177 = tpu.vector_load_idx %arg5[%broadcast_in_dim3A, %get3A_176] : memref<32x1024xf32, #tpu.memory_space<vmem>>[vector<16xi32>, vector<16xi32>], vector<16xf32>,
      %swap3A_178 = arith.index_cast %scan3A_8 : i32 to index
      %swap3A_179 = arith.constant 384 : index
      %swap3A_180 = tpu.vector_load %arg7[%swap3A_178, %swap3A_179] {strides = array<i32>} : memref<32x1024xf32, #tpu.memory_space<vmem>>, vector<16xf32>,
      tpu.vector_store %arg7[%swap3A_178, %swap3A_179], %gather3A_177 {strides = array<i32>} : memref<32x1024xf32, #tpu.memory_space<vmem>>, vector<16xf32>,
      %get3A_181 = arith.index_cast %scan3A_8 : i32 to index
      %get3A_182 = arith.constant 400 : index
      %get3A_183 = tpu.vector_load %arg6[%get3A_181, %get3A_182] {strides = array<i32>} : memref<32x1024xi32, #tpu.memory_space<vmem>>, vector<16xi32>,
      %gather3A_184 = tpu.vector_load_idx %arg5[%broadcast_in_dim3A, %get3A_183] : memref<32x1024xf32, #tpu.memory_space<vmem>>[vector<16xi32>, vector<16xi32>], vector<16xf32>,
      %swap3A_185 = arith.index_cast %scan3A_8 : i32 to index
      %swap3A_186 = arith.constant 400 : index
      %swap3A_187 = tpu.vector_load %arg7[%swap3A_185, %swap3A_186] {strides = array<i32>} : memref<32x1024xf32, #tpu.memory_space<vmem>>, vector<16xf32>,
      tpu.vector_store %arg7[%swap3A_185, %swap3A_186], %gather3A_184 {strides = array<i32>} : memref<32x1024xf32, #tpu.memory_space<vmem>>, vector<16xf32>,
      %get3A_188 = arith.index_cast %scan3A_8 : i32 to index
      %get3A_189 = arith.constant 416 : index
      %get3A_190 = tpu.vector_load %arg6[%get3A_188, %get3A_189] {strides = array<i32>} : memref<32x1024xi32, #tpu.memory_space<vmem>>, vector<16xi32>,
      %gather3A_191 = tpu.vector_load_idx %arg5[%broadcast_in_dim3A, %get3A_190] : memref<32x1024xf32, #tpu.memory_space<vmem>>[vector<16xi32>, vector<16xi32>], vector<16xf32>,
      %swap3A_192 = arith.index_cast %scan3A_8 : i32 to index
      %swap3A_193 = arith.constant 416 : index
      %swap3A_194 = tpu.vector_load %arg7[%swap3A_192, %swap3A_193] {strides = array<i32>} : memref<32x1024xf32, #tpu.memory_space<vmem>>, vector<16xf32>,
      tpu.vector_store %arg7[%swap3A_192, %swap3A_193], %gather3A_191 {strides = array<i32>} : memref<32x1024xf32, #tpu.memory_space<vmem>>, vector<16xf32>,
      %get3A_195 = arith.index_cast %scan3A_8 : i32 to index
      %get3A_196 = arith.constant 432 : index
      %get3A_197 = tpu.vector_load %arg6[%get3A_195, %get3A_196] {strides = array<i32>} : memref<32x1024xi32, #tpu.memory_space<vmem>>, vector<16xi32>,
      %gather3A_198 = tpu.vector_load_idx %arg5[%broadcast_in_dim3A, %get3A_197] : memref<32x1024xf32, #tpu.memory_space<vmem>>[vector<16xi32>, vector<16xi32>], vector<16xf32>,
      %swap3A_199 = arith.index_cast %scan3A_8 : i32 to index
      %swap3A_200 = arith.constant 432 : index
      %swap3A_201 = tpu.vector_load %arg7[%swap3A_199, %swap3A_200] {strides = array<i32>} : memref<32x1024xf32, #tpu.memory_space<vmem>>, vector<16xf32>,
      tpu.vector_store %arg7[%swap3A_199, %swap3A_200], %gather3A_198 {strides = array<i32>} : memref<32x1024xf32, #tpu.memory_space<vmem>>, vector<16xf32>,
      %get3A_202 = arith.index_cast %scan3A_8 : i32 to index
      %get3A_203 = arith.constant 448 : index
      %get3A_204 = tpu.vector_load %arg6[%get3A_202, %get3A_203] {strides = array<i32>} : memref<32x1024xi32, #tpu.memory_space<vmem>>, vector<16xi32>,
      %gather3A_205 = tpu.vector_load_idx %arg5[%broadcast_in_dim3A, %get3A_204] : memref<32x1024xf32, #tpu.memory_space<vmem>>[vector<16xi32>, vector<16xi32>], vector<16xf32>,
      %swap3A_206 = arith.index_cast %scan3A_8 : i32 to index
      %swap3A_207 = arith.constant 448 : index
      %swap3A_208 = tpu.vector_load %arg7[%swap3A_206, %swap3A_207] {strides = array<i32>} : memref<32x1024xf32, #tpu.memory_space<vmem>>, vector<16xf32>,
      tpu.vector_store %arg7[%swap3A_206, %swap3A_207], %gather3A_205 {strides = array<i32>} : memref<32x1024xf32, #tpu.memory_space<vmem>>, vector<16xf32>,
      %get3A_209 = arith.index_cast %scan3A_8 : i32 to index
      %get3A_210 = arith.constant 464 : index
      %get3A_211 = tpu.vector_load %arg6[%get3A_209, %get3A_210] {strides = array<i32>} : memref<32x1024xi32, #tpu.memory_space<vmem>>, vector<16xi32>,
      %gather3A_212 = tpu.vector_load_idx %arg5[%broadcast_in_dim3A, %get3A_211] : memref<32x1024xf32, #tpu.memory_space<vmem>>[vector<16xi32>, vector<16xi32>], vector<16xf32>,
      %swap3A_213 = arith.index_cast %scan3A_8 : i32 to index
      %swap3A_214 = arith.constant 464 : index
      %swap3A_215 = tpu.vector_load %arg7[%swap3A_213, %swap3A_214] {strides = array<i32>} : memref<32x1024xf32, #tpu.memory_space<vmem>>, vector<16xf32>,
      tpu.vector_store %arg7[%swap3A_213, %swap3A_214], %gather3A_212 {strides = array<i32>} : memref<32x1024xf32, #tpu.memory_space<vmem>>, vector<16xf32>,
      %get3A_216 = arith.index_cast %scan3A_8 : i32 to index
      %get3A_217 = arith.constant 480 : index
      %get3A_218 = tpu.vector_load %arg6[%get3A_216, %get3A_217] {strides = array<i32>} : memref<32x1024xi32, #tpu.memory_space<vmem>>, vector<16xi32>,
      %gather3A_219 = tpu.vector_load_idx %arg5[%broadcast_in_dim3A, %get3A_218] : memref<32x1024xf32, #tpu.memory_space<vmem>>[vector<16xi32>, vector<16xi32>], vector<16xf32>,
      %swap3A_220 = arith.index_cast %scan3A_8 : i32 to index
      %swap3A_221 = arith.constant 480 : index
      %swap3A_222 = tpu.vector_load %arg7[%swap3A_220, %swap3A_221] {strides = array<i32>} : memref<32x1024xf32, #tpu.memory_space<vmem>>, vector<16xf32>,
      tpu.vector_store %arg7[%swap3A_220, %swap3A_221], %gather3A_219 {strides = array<i32>} : memref<32x1024xf32, #tpu.memory_space<vmem>>, vector<16xf32>,
      %get3A_223 = arith.index_cast %scan3A_8 : i32 to index
      %get3A_224 = arith.constant 496 : index
      %get3A_225 = tpu.vector_load %arg6[%get3A_223, %get3A_224] {strides = array<i32>} : memref<32x1024xi32, #tpu.memory_space<vmem>>, vector<16xi32>,
      %gather3A_226 = tpu.vector_load_idx %arg5[%broadcast_in_dim3A, %get3A_225] : memref<32x1024xf32, #tpu.memory_space<vmem>>[vector<16xi32>, vector<16xi32>], vector<16xf32>,
      %swap3A_227 = arith.index_cast %scan3A_8 : i32 to index
      %swap3A_228 = arith.constant 496 : index
      %swap3A_229 = tpu.vector_load %arg7[%swap3A_227, %swap3A_228] {strides = array<i32>} : memref<32x1024xf32, #tpu.memory_space<vmem>>, vector<16xf32>,
      tpu.vector_store %arg7[%swap3A_227, %swap3A_228], %gather3A_226 {strides = array<i32>} : memref<32x1024xf32, #tpu.memory_space<vmem>>, vector<16xf32>,
      %get3A_230 = arith.index_cast %scan3A_8 : i32 to index
      %get3A_231 = arith.constant 512 : index
      %get3A_232 = tpu.vector_load %arg6[%get3A_230, %get3A_231] {strides = array<i32>} : memref<32x1024xi32, #tpu.memory_space<vmem>>, vector<16xi32>,
      %gather3A_233 = tpu.vector_load_idx %arg5[%broadcast_in_dim3A, %get3A_232] : memref<32x1024xf32, #tpu.memory_space<vmem>>[vector<16xi32>, vector<16xi32>], vector<16xf32>,
      %swap3A_234 = arith.index_cast %scan3A_8 : i32 to index
      %swap3A_235 = arith.constant 512 : index
      %swap3A_236 = tpu.vector_load %arg7[%swap3A_234, %swap3A_235] {strides = array<i32>} : memref<32x1024xf32, #tpu.memory_space<vmem>>, vector<16xf32>,
      tpu.vector_store %arg7[%swap3A_234, %swap3A_235], %gather3A_233 {strides = array<i32>} : memref<32x1024xf32, #tpu.memory_space<vmem>>, vector<16xf32>,
      %get3A_237 = arith.index_cast %scan3A_8 : i32 to index
      %get3A_238 = arith.constant 528 : index
      %get3A_239 = tpu.vector_load %arg6[%get3A_237, %get3A_238] {strides = array<i32>} : memref<32x1024xi32, #tpu.memory_space<vmem>>, vector<16xi32>,
      %gather3A_240 = tpu.vector_load_idx %arg5[%broadcast_in_dim3A, %get3A_239] : memref<32x1024xf32, #tpu.memory_space<vmem>>[vector<16xi32>, vector<16xi32>], vector<16xf32>,
      %swap3A_241 = arith.index_cast %scan3A_8 : i32 to index
      %swap3A_242 = arith.constant 528 : index
      %swap3A_243 = tpu.vector_load %arg7[%swap3A_241, %swap3A_242] {strides = array<i32>} : memref<32x1024xf32, #tpu.memory_space<vmem>>, vector<16xf32>,
      tpu.vector_store %arg7[%swap3A_241, %swap3A_242], %gather3A_240 {strides = array<i32>} : memref<32x1024xf32, #tpu.memory_space<vmem>>, vector<16xf32>,
      %get3A_244 = arith.index_cast %scan3A_8 : i32 to index
      %get3A_245 = arith.constant 544 : index
      %get3A_246 = tpu.vector_load %arg6[%get3A_244, %get3A_245] {strides = array<i32>} : memref<32x1024xi32, #tpu.memory_space<vmem>>, vector<16xi32>,
      %gather3A_247 = tpu.vector_load_idx %arg5[%broadcast_in_dim3A, %get3A_246] : memref<32x1024xf32, #tpu.memory_space<vmem>>[vector<16xi32>, vector<16xi32>], vector<16xf32>,
      %swap3A_248 = arith.index_cast %scan3A_8 : i32 to index
      %swap3A_249 = arith.constant 544 : index
      %swap3A_250 = tpu.vector_load %arg7[%swap3A_248, %swap3A_249] {strides = array<i32>} : memref<32x1024xf32, #tpu.memory_space<vmem>>, vector<16xf32>,
      tpu.vector_store %arg7[%swap3A_248, %swap3A_249], %gather3A_247 {strides = array<i32>} : memref<32x1024xf32, #tpu.memory_space<vmem>>, vector<16xf32>,
      %get3A_251 = arith.index_cast %scan3A_8 : i32 to index
      %get3A_252 = arith.constant 560 : index
      %get3A_253 = tpu.vector_load %arg6[%get3A_251, %get3A_252] {strides = array<i32>} : memref<32x1024xi32, #tpu.memory_space<vmem>>, vector<16xi32>,
      %gather3A_254 = tpu.vector_load_idx %arg5[%broadcast_in_dim3A, %get3A_253] : memref<32x1024xf32, #tpu.memory_space<vmem>>[vector<16xi32>, vector<16xi32>], vector<16xf32>,
      %swap3A_255 = arith.index_cast %scan3A_8 : i32 to index
      %swap3A_256 = arith.constant 560 : index
      %swap3A_257 = tpu.vector_load %arg7[%swap3A_255, %swap3A_256] {strides = array<i32>} : memref<32x1024xf32, #tpu.memory_space<vmem>>, vector<16xf32>,
      tpu.vector_store %arg7[%swap3A_255, %swap3A_256], %gather3A_254 {strides = array<i32>} : memref<32x1024xf32, #tpu.memory_space<vmem>>, vector<16xf32>,
      %get3A_258 = arith.index_cast %scan3A_8 : i32 to index
      %get3A_259 = arith.constant 576 : index
      %get3A_260 = tpu.vector_load %arg6[%get3A_258, %get3A_259] {strides = array<i32>} : memref<32x1024xi32, #tpu.memory_space<vmem>>, vector<16xi32>,
      %gather3A_261 = tpu.vector_load_idx %arg5[%broadcast_in_dim3A, %get3A_260] : memref<32x1024xf32, #tpu.memory_space<vmem>>[vector<16xi32>, vector<16xi32>], vector<16xf32>,
      %swap3A_262 = arith.index_cast %scan3A_8 : i32 to index
      %swap3A_263 = arith.constant 576 : index
      %swap3A_264 = tpu.vector_load %arg7[%swap3A_262, %swap3A_263] {strides = array<i32>} : memref<32x1024xf32, #tpu.memory_space<vmem>>, vector<16xf32>,
      tpu.vector_store %arg7[%swap3A_262, %swap3A_263], %gather3A_261 {strides = array<i32>} : memref<32x1024xf32, #tpu.memory_space<vmem>>, vector<16xf32>,
      %get3A_265 = arith.index_cast %scan3A_8 : i32 to index
      %get3A_266 = arith.constant 592 : index
      %get3A_267 = tpu.vector_load %arg6[%get3A_265, %get3A_266] {strides = array<i32>} : memref<32x1024xi32, #tpu.memory_space<vmem>>, vector<16xi32>,
      %gather3A_268 = tpu.vector_load_idx %arg5[%broadcast_in_dim3A, %get3A_267] : memref<32x1024xf32, #tpu.memory_space<vmem>>[vector<16xi32>, vector<16xi32>], vector<16xf32>,
      %swap3A_269 = arith.index_cast %scan3A_8 : i32 to index
      %swap3A_270 = arith.constant 592 : index
      %swap3A_271 = tpu.vector_load %arg7[%swap3A_269, %swap3A_270] {strides = array<i32>} : memref<32x1024xf32, #tpu.memory_space<vmem>>, vector<16xf32>,
      tpu.vector_store %arg7[%swap3A_269, %swap3A_270], %gather3A_268 {strides = array<i32>} : memref<32x1024xf32, #tpu.memory_space<vmem>>, vector<16xf32>,
      %get3A_272 = arith.index_cast %scan3A_8 : i32 to index
      %get3A_273 = arith.constant 608 : index
      %get3A_274 = tpu.vector_load %arg6[%get3A_272, %get3A_273] {strides = array<i32>} : memref<32x1024xi32, #tpu.memory_space<vmem>>, vector<16xi32>,
      %gather3A_275 = tpu.vector_load_idx %arg5[%broadcast_in_dim3A, %get3A_274] : memref<32x1024xf32, #tpu.memory_space<vmem>>[vector<16xi32>, vector<16xi32>], vector<16xf32>,
      %swap3A_276 = arith.index_cast %scan3A_8 : i32 to index
      %swap3A_277 = arith.constant 608 : index
      %swap3A_278 = tpu.vector_load %arg7[%swap3A_276, %swap3A_277] {strides = array<i32>} : memref<32x1024xf32, #tpu.memory_space<vmem>>, vector<16xf32>,
      tpu.vector_store %arg7[%swap3A_276, %swap3A_277], %gather3A_275 {strides = array<i32>} : memref<32x1024xf32, #tpu.memory_space<vmem>>, vector<16xf32>,
      %get3A_279 = arith.index_cast %scan3A_8 : i32 to index
      %get3A_280 = arith.constant 624 : index
      %get3A_281 = tpu.vector_load %arg6[%get3A_279, %get3A_280] {strides = array<i32>} : memref<32x1024xi32, #tpu.memory_space<vmem>>, vector<16xi32>,
      %gather3A_282 = tpu.vector_load_idx %arg5[%broadcast_in_dim3A, %get3A_281] : memref<32x1024xf32, #tpu.memory_space<vmem>>[vector<16xi32>, vector<16xi32>], vector<16xf32>,
      %swap3A_283 = arith.index_cast %scan3A_8 : i32 to index
      %swap3A_284 = arith.constant 624 : index
      %swap3A_285 = tpu.vector_load %arg7[%swap3A_283, %swap3A_284] {strides = array<i32>} : memref<32x1024xf32, #tpu.memory_space<vmem>>, vector<16xf32>,
      tpu.vector_store %arg7[%swap3A_283, %swap3A_284], %gather3A_282 {strides = array<i32>} : memref<32x1024xf32, #tpu.memory_space<vmem>>, vector<16xf32>,
      %get3A_286 = arith.index_cast %scan3A_8 : i32 to index
      %get3A_287 = arith.constant 640 : index
      %get3A_288 = tpu.vector_load %arg6[%get3A_286, %get3A_287] {strides = array<i32>} : memref<32x1024xi32, #tpu.memory_space<vmem>>, vector<16xi32>,
      %gather3A_289 = tpu.vector_load_idx %arg5[%broadcast_in_dim3A, %get3A_288] : memref<32x1024xf32, #tpu.memory_space<vmem>>[vector<16xi32>, vector<16xi32>], vector<16xf32>,
      %swap3A_290 = arith.index_cast %scan3A_8 : i32 to index
      %swap3A_291 = arith.constant 640 : index
      %swap3A_292 = tpu.vector_load %arg7[%swap3A_290, %swap3A_291] {strides = array<i32>} : memref<32x1024xf32, #tpu.memory_space<vmem>>, vector<16xf32>,
      tpu.vector_store %arg7[%swap3A_290, %swap3A_291], %gather3A_289 {strides = array<i32>} : memref<32x1024xf32, #tpu.memory_space<vmem>>, vector<16xf32>,
      %get3A_293 = arith.index_cast %scan3A_8 : i32 to index
      %get3A_294 = arith.constant 656 : index
      %get3A_295 = tpu.vector_load %arg6[%get3A_293, %get3A_294] {strides = array<i32>} : memref<32x1024xi32, #tpu.memory_space<vmem>>, vector<16xi32>,
      %gather3A_296 = tpu.vector_load_idx %arg5[%broadcast_in_dim3A, %get3A_295] : memref<32x1024xf32, #tpu.memory_space<vmem>>[vector<16xi32>, vector<16xi32>], vector<16xf32>,
      %swap3A_297 = arith.index_cast %scan3A_8 : i32 to index
      %swap3A_298 = arith.constant 656 : index
      %swap3A_299 = tpu.vector_load %arg7[%swap3A_297, %swap3A_298] {strides = array<i32>} : memref<32x1024xf32, #tpu.memory_space<vmem>>, vector<16xf32>,
      tpu.vector_store %arg7[%swap3A_297, %swap3A_298], %gather3A_296 {strides = array<i32>} : memref<32x1024xf32, #tpu.memory_space<vmem>>, vector<16xf32>,
      %get3A_300 = arith.index_cast %scan3A_8 : i32 to index
      %get3A_301 = arith.constant 672 : index
      %get3A_302 = tpu.vector_load %arg6[%get3A_300, %get3A_301] {strides = array<i32>} : memref<32x1024xi32, #tpu.memory_space<vmem>>, vector<16xi32>,
      %gather3A_303 = tpu.vector_load_idx %arg5[%broadcast_in_dim3A, %get3A_302] : memref<32x1024xf32, #tpu.memory_space<vmem>>[vector<16xi32>, vector<16xi32>], vector<16xf32>,
      %swap3A_304 = arith.index_cast %scan3A_8 : i32 to index
      %swap3A_305 = arith.constant 672 : index
      %swap3A_306 = tpu.vector_load %arg7[%swap3A_304, %swap3A_305] {strides = array<i32>} : memref<32x1024xf32, #tpu.memory_space<vmem>>, vector<16xf32>,
      tpu.vector_store %arg7[%swap3A_304, %swap3A_305], %gather3A_303 {strides = array<i32>} : memref<32x1024xf32, #tpu.memory_space<vmem>>, vector<16xf32>,
      %get3A_307 = arith.index_cast %scan3A_8 : i32 to index
      %get3A_308 = arith.constant 688 : index
      %get3A_309 = tpu.vector_load %arg6[%get3A_307, %get3A_308] {strides = array<i32>} : memref<32x1024xi32, #tpu.memory_space<vmem>>, vector<16xi32>,
      %gather3A_310 = tpu.vector_load_idx %arg5[%broadcast_in_dim3A, %get3A_309] : memref<32x1024xf32, #tpu.memory_space<vmem>>[vector<16xi32>, vector<16xi32>], vector<16xf32>,
      %swap3A_311 = arith.index_cast %scan3A_8 : i32 to index
      %swap3A_312 = arith.constant 688 : index
      %swap3A_313 = tpu.vector_load %arg7[%swap3A_311, %swap3A_312] {strides = array<i32>} : memref<32x1024xf32, #tpu.memory_space<vmem>>, vector<16xf32>,
      tpu.vector_store %arg7[%swap3A_311, %swap3A_312], %gather3A_310 {strides = array<i32>} : memref<32x1024xf32, #tpu.memory_space<vmem>>, vector<16xf32>,
      %get3A_314 = arith.index_cast %scan3A_8 : i32 to index
      %get3A_315 = arith.constant 704 : index
      %get3A_316 = tpu.vector_load %arg6[%get3A_314, %get3A_315] {strides = array<i32>} : memref<32x1024xi32, #tpu.memory_space<vmem>>, vector<16xi32>,
      %gather3A_317 = tpu.vector_load_idx %arg5[%broadcast_in_dim3A, %get3A_316] : memref<32x1024xf32, #tpu.memory_space<vmem>>[vector<16xi32>, vector<16xi32>], vector<16xf32>,
      %swap3A_318 = arith.index_cast %scan3A_8 : i32 to index
      %swap3A_319 = arith.constant 704 : index
      %swap3A_320 = tpu.vector_load %arg7[%swap3A_318, %swap3A_319] {strides = array<i32>} : memref<32x1024xf32, #tpu.memory_space<vmem>>, vector<16xf32>,
      tpu.vector_store %arg7[%swap3A_318, %swap3A_319], %gather3A_317 {strides = array<i32>} : memref<32x1024xf32, #tpu.memory_space<vmem>>, vector<16xf32>,
      %get3A_321 = arith.index_cast %scan3A_8 : i32 to index
      %get3A_322 = arith.constant 720 : index
      %get3A_323 = tpu.vector_load %arg6[%get3A_321, %get3A_322] {strides = array<i32>} : memref<32x1024xi32, #tpu.memory_space<vmem>>, vector<16xi32>,
      %gather3A_324 = tpu.vector_load_idx %arg5[%broadcast_in_dim3A, %get3A_323] : memref<32x1024xf32, #tpu.memory_space<vmem>>[vector<16xi32>, vector<16xi32>], vector<16xf32>,
      %swap3A_325 = arith.index_cast %scan3A_8 : i32 to index
      %swap3A_326 = arith.constant 720 : index
      %swap3A_327 = tpu.vector_load %arg7[%swap3A_325, %swap3A_326] {strides = array<i32>} : memref<32x1024xf32, #tpu.memory_space<vmem>>, vector<16xf32>,
      tpu.vector_store %arg7[%swap3A_325, %swap3A_326], %gather3A_324 {strides = array<i32>} : memref<32x1024xf32, #tpu.memory_space<vmem>>, vector<16xf32>,
      %get3A_328 = arith.index_cast %scan3A_8 : i32 to index
      %get3A_329 = arith.constant 736 : index
      %get3A_330 = tpu.vector_load %arg6[%get3A_328, %get3A_329] {strides = array<i32>} : memref<32x1024xi32, #tpu.memory_space<vmem>>, vector<16xi32>,
      %gather3A_331 = tpu.vector_load_idx %arg5[%broadcast_in_dim3A, %get3A_330] : memref<32x1024xf32, #tpu.memory_space<vmem>>[vector<16xi32>, vector<16xi32>], vector<16xf32>,
      %swap3A_332 = arith.index_cast %scan3A_8 : i32 to index
      %swap3A_333 = arith.constant 736 : index
      %swap3A_334 = tpu.vector_load %arg7[%swap3A_332, %swap3A_333] {strides = array<i32>} : memref<32x1024xf32, #tpu.memory_space<vmem>>, vector<16xf32>,
      tpu.vector_store %arg7[%swap3A_332, %swap3A_333], %gather3A_331 {strides = array<i32>} : memref<32x1024xf32, #tpu.memory_space<vmem>>, vector<16xf32>,
      %get3A_335 = arith.index_cast %scan3A_8 : i32 to index
      %get3A_336 = arith.constant 752 : index
      %get3A_337 = tpu.vector_load %arg6[%get3A_335, %get3A_336] {strides = array<i32>} : memref<32x1024xi32, #tpu.memory_space<vmem>>, vector<16xi32>,
      %gather3A_338 = tpu.vector_load_idx %arg5[%broadcast_in_dim3A, %get3A_337] : memref<32x1024xf32, #tpu.memory_space<vmem>>[vector<16xi32>, vector<16xi32>], vector<16xf32>,
      %swap3A_339 = arith.index_cast %scan3A_8 : i32 to index
      %swap3A_340 = arith.constant 752 : index
      %swap3A_341 = tpu.vector_load %arg7[%swap3A_339, %swap3A_340] {strides = array<i32>} : memref<32x1024xf32, #tpu.memory_space<vmem>>, vector<16xf32>,
      tpu.vector_store %arg7[%swap3A_339, %swap3A_340], %gather3A_338 {strides = array<i32>} : memref<32x1024xf32, #tpu.memory_space<vmem>>, vector<16xf32>,
      %get3A_342 = arith.index_cast %scan3A_8 : i32 to index
      %get3A_343 = arith.constant 768 : index
      %get3A_344 = tpu.vector_load %arg6[%get3A_342, %get3A_343] {strides = array<i32>} : memref<32x1024xi32, #tpu.memory_space<vmem>>, vector<16xi32>,
      %gather3A_345 = tpu.vector_load_idx %arg5[%broadcast_in_dim3A, %get3A_344] : memref<32x1024xf32, #tpu.memory_space<vmem>>[vector<16xi32>, vector<16xi32>], vector<16xf32>,
      %swap3A_346 = arith.index_cast %scan3A_8 : i32 to index
      %swap3A_347 = arith.constant 768 : index
      %swap3A_348 = tpu.vector_load %arg7[%swap3A_346, %swap3A_347] {strides = array<i32>} : memref<32x1024xf32, #tpu.memory_space<vmem>>, vector<16xf32>,
      tpu.vector_store %arg7[%swap3A_346, %swap3A_347], %gather3A_345 {strides = array<i32>} : memref<32x1024xf32, #tpu.memory_space<vmem>>, vector<16xf32>,
      %get3A_349 = arith.index_cast %scan3A_8 : i32 to index
      %get3A_350 = arith.constant 784 : index
      %get3A_351 = tpu.vector_load %arg6[%get3A_349, %get3A_350] {strides = array<i32>} : memref<32x1024xi32, #tpu.memory_space<vmem>>, vector<16xi32>,
      %gather3A_352 = tpu.vector_load_idx %arg5[%broadcast_in_dim3A, %get3A_351] : memref<32x1024xf32, #tpu.memory_space<vmem>>[vector<16xi32>, vector<16xi32>], vector<16xf32>,
      %swap3A_353 = arith.index_cast %scan3A_8 : i32 to index
      %swap3A_354 = arith.constant 784 : index
      %swap3A_355 = tpu.vector_load %arg7[%swap3A_353, %swap3A_354] {strides = array<i32>} : memref<32x1024xf32, #tpu.memory_space<vmem>>, vector<16xf32>,
      tpu.vector_store %arg7[%swap3A_353, %swap3A_354], %gather3A_352 {strides = array<i32>} : memref<32x1024xf32, #tpu.memory_space<vmem>>, vector<16xf32>,
      %get3A_356 = arith.index_cast %scan3A_8 : i32 to index
      %get3A_357 = arith.constant 800 : index
      %get3A_358 = tpu.vector_load %arg6[%get3A_356, %get3A_357] {strides = array<i32>} : memref<32x1024xi32, #tpu.memory_space<vmem>>, vector<16xi32>,
      %gather3A_359 = tpu.vector_load_idx %arg5[%broadcast_in_dim3A, %get3A_358] : memref<32x1024xf32, #tpu.memory_space<vmem>>[vector<16xi32>, vector<16xi32>], vector<16xf32>,
      %swap3A_360 = arith.index_cast %scan3A_8 : i32 to index
      %swap3A_361 = arith.constant 800 : index
      %swap3A_362 = tpu.vector_load %arg7[%swap3A_360, %swap3A_361] {strides = array<i32>} : memref<32x1024xf32, #tpu.memory_space<vmem>>, vector<16xf32>,
      tpu.vector_store %arg7[%swap3A_360, %swap3A_361], %gather3A_359 {strides = array<i32>} : memref<32x1024xf32, #tpu.memory_space<vmem>>, vector<16xf32>,
      %get3A_363 = arith.index_cast %scan3A_8 : i32 to index
      %get3A_364 = arith.constant 816 : index
      %get3A_365 = tpu.vector_load %arg6[%get3A_363, %get3A_364] {strides = array<i32>} : memref<32x1024xi32, #tpu.memory_space<vmem>>, vector<16xi32>,
      %gather3A_366 = tpu.vector_load_idx %arg5[%broadcast_in_dim3A, %get3A_365] : memref<32x1024xf32, #tpu.memory_space<vmem>>[vector<16xi32>, vector<16xi32>], vector<16xf32>,
      %swap3A_367 = arith.index_cast %scan3A_8 : i32 to index
      %swap3A_368 = arith.constant 816 : index
      %swap3A_369 = tpu.vector_load %arg7[%swap3A_367, %swap3A_368] {strides = array<i32>} : memref<32x1024xf32, #tpu.memory_space<vmem>>, vector<16xf32>,
      tpu.vector_store %arg7[%swap3A_367, %swap3A_368], %gather3A_366 {strides = array<i32>} : memref<32x1024xf32, #tpu.memory_space<vmem>>, vector<16xf32>,
      %get3A_370 = arith.index_cast %scan3A_8 : i32 to index
      %get3A_371 = arith.constant 832 : index
      %get3A_372 = tpu.vector_load %arg6[%get3A_370, %get3A_371] {strides = array<i32>} : memref<32x1024xi32, #tpu.memory_space<vmem>>, vector<16xi32>,
      %gather3A_373 = tpu.vector_load_idx %arg5[%broadcast_in_dim3A, %get3A_372] : memref<32x1024xf32, #tpu.memory_space<vmem>>[vector<16xi32>, vector<16xi32>], vector<16xf32>,
      %swap3A_374 = arith.index_cast %scan3A_8 : i32 to index
      %swap3A_375 = arith.constant 832 : index
      %swap3A_376 = tpu.vector_load %arg7[%swap3A_374, %swap3A_375] {strides = array<i32>} : memref<32x1024xf32, #tpu.memory_space<vmem>>, vector<16xf32>,
      tpu.vector_store %arg7[%swap3A_374, %swap3A_375], %gather3A_373 {strides = array<i32>} : memref<32x1024xf32, #tpu.memory_space<vmem>>, vector<16xf32>,
      %get3A_377 = arith.index_cast %scan3A_8 : i32 to index
      %get3A_378 = arith.constant 848 : index
      %get3A_379 = tpu.vector_load %arg6[%get3A_377, %get3A_378] {strides = array<i32>} : memref<32x1024xi32, #tpu.memory_space<vmem>>, vector<16xi32>,
      %gather3A_380 = tpu.vector_load_idx %arg5[%broadcast_in_dim3A, %get3A_379] : memref<32x1024xf32, #tpu.memory_space<vmem>>[vector<16xi32>, vector<16xi32>], vector<16xf32>,
      %swap3A_381 = arith.index_cast %scan3A_8 : i32 to index
      %swap3A_382 = arith.constant 848 : index
      %swap3A_383 = tpu.vector_load %arg7[%swap3A_381, %swap3A_382] {strides = array<i32>} : memref<32x1024xf32, #tpu.memory_space<vmem>>, vector<16xf32>,
      tpu.vector_store %arg7[%swap3A_381, %swap3A_382], %gather3A_380 {strides = array<i32>} : memref<32x1024xf32, #tpu.memory_space<vmem>>, vector<16xf32>,
      %get3A_384 = arith.index_cast %scan3A_8 : i32 to index
      %get3A_385 = arith.constant 864 : index
      %get3A_386 = tpu.vector_load %arg6[%get3A_384, %get3A_385] {strides = array<i32>} : memref<32x1024xi32, #tpu.memory_space<vmem>>, vector<16xi32>,
      %gather3A_387 = tpu.vector_load_idx %arg5[%broadcast_in_dim3A, %get3A_386] : memref<32x1024xf32, #tpu.memory_space<vmem>>[vector<16xi32>, vector<16xi32>], vector<16xf32>,
      %swap3A_388 = arith.index_cast %scan3A_8 : i32 to index
      %swap3A_389 = arith.constant 864 : index
      %swap3A_390 = tpu.vector_load %arg7[%swap3A_388, %swap3A_389] {strides = array<i32>} : memref<32x1024xf32, #tpu.memory_space<vmem>>, vector<16xf32>,
      tpu.vector_store %arg7[%swap3A_388, %swap3A_389], %gather3A_387 {strides = array<i32>} : memref<32x1024xf32, #tpu.memory_space<vmem>>, vector<16xf32>,
      %get3A_391 = arith.index_cast %scan3A_8 : i32 to index
      %get3A_392 = arith.constant 880 : index
      %get3A_393 = tpu.vector_load %arg6[%get3A_391, %get3A_392] {strides = array<i32>} : memref<32x1024xi32, #tpu.memory_space<vmem>>, vector<16xi32>,
      %gather3A_394 = tpu.vector_load_idx %arg5[%broadcast_in_dim3A, %get3A_393] : memref<32x1024xf32, #tpu.memory_space<vmem>>[vector<16xi32>, vector<16xi32>], vector<16xf32>,
      %swap3A_395 = arith.index_cast %scan3A_8 : i32 to index
      %swap3A_396 = arith.constant 880 : index
      %swap3A_397 = tpu.vector_load %arg7[%swap3A_395, %swap3A_396] {strides = array<i32>} : memref<32x1024xf32, #tpu.memory_space<vmem>>, vector<16xf32>,
      tpu.vector_store %arg7[%swap3A_395, %swap3A_396], %gather3A_394 {strides = array<i32>} : memref<32x1024xf32, #tpu.memory_space<vmem>>, vector<16xf32>,
      %get3A_398 = arith.index_cast %scan3A_8 : i32 to index
      %get3A_399 = arith.constant 896 : index
      %get3A_400 = tpu.vector_load %arg6[%get3A_398, %get3A_399] {strides = array<i32>} : memref<32x1024xi32, #tpu.memory_space<vmem>>, vector<16xi32>,
      %gather3A_401 = tpu.vector_load_idx %arg5[%broadcast_in_dim3A, %get3A_400] : memref<32x1024xf32, #tpu.memory_space<vmem>>[vector<16xi32>, vector<16xi32>], vector<16xf32>,
      %swap3A_402 = arith.index_cast %scan3A_8 : i32 to index
      %swap3A_403 = arith.constant 896 : index
      %swap3A_404 = tpu.vector_load %arg7[%swap3A_402, %swap3A_403] {strides = array<i32>} : memref<32x1024xf32, #tpu.memory_space<vmem>>, vector<16xf32>,
      tpu.vector_store %arg7[%swap3A_402, %swap3A_403], %gather3A_401 {strides = array<i32>} : memref<32x1024xf32, #tpu.memory_space<vmem>>, vector<16xf32>,
      %get3A_405 = arith.index_cast %scan3A_8 : i32 to index
      %get3A_406 = arith.constant 912 : index
      %get3A_407 = tpu.vector_load %arg6[%get3A_405, %get3A_406] {strides = array<i32>} : memref<32x1024xi32, #tpu.memory_space<vmem>>, vector<16xi32>,
      %gather3A_408 = tpu.vector_load_idx %arg5[%broadcast_in_dim3A, %get3A_407] : memref<32x1024xf32, #tpu.memory_space<vmem>>[vector<16xi32>, vector<16xi32>], vector<16xf32>,
      %swap3A_409 = arith.index_cast %scan3A_8 : i32 to index
      %swap3A_410 = arith.constant 912 : index
      %swap3A_411 = tpu.vector_load %arg7[%swap3A_409, %swap3A_410] {strides = array<i32>} : memref<32x1024xf32, #tpu.memory_space<vmem>>, vector<16xf32>,
      tpu.vector_store %arg7[%swap3A_409, %swap3A_410], %gather3A_408 {strides = array<i32>} : memref<32x1024xf32, #tpu.memory_space<vmem>>, vector<16xf32>,
      %get3A_412 = arith.index_cast %scan3A_8 : i32 to index
      %get3A_413 = arith.constant 928 : index
      %get3A_414 = tpu.vector_load %arg6[%get3A_412, %get3A_413] {strides = array<i32>} : memref<32x1024xi32, #tpu.memory_space<vmem>>, vector<16xi32>,
      %gather3A_415 = tpu.vector_load_idx %arg5[%broadcast_in_dim3A, %get3A_414] : memref<32x1024xf32, #tpu.memory_space<vmem>>[vector<16xi32>, vector<16xi32>], vector<16xf32>,
      %swap3A_416 = arith.index_cast %scan3A_8 : i32 to index
      %swap3A_417 = arith.constant 928 : index
      %swap3A_418 = tpu.vector_load %arg7[%swap3A_416, %swap3A_417] {strides = array<i32>} : memref<32x1024xf32, #tpu.memory_space<vmem>>, vector<16xf32>,
      tpu.vector_store %arg7[%swap3A_416, %swap3A_417], %gather3A_415 {strides = array<i32>} : memref<32x1024xf32, #tpu.memory_space<vmem>>, vector<16xf32>,
      %get3A_419 = arith.index_cast %scan3A_8 : i32 to index
      %get3A_420 = arith.constant 944 : index
      %get3A_421 = tpu.vector_load %arg6[%get3A_419, %get3A_420] {strides = array<i32>} : memref<32x1024xi32, #tpu.memory_space<vmem>>, vector<16xi32>,
      %gather3A_422 = tpu.vector_load_idx %arg5[%broadcast_in_dim3A, %get3A_421] : memref<32x1024xf32, #tpu.memory_space<vmem>>[vector<16xi32>, vector<16xi32>], vector<16xf32>,
      %swap3A_423 = arith.index_cast %scan3A_8 : i32 to index
      %swap3A_424 = arith.constant 944 : index
      %swap3A_425 = tpu.vector_load %arg7[%swap3A_423, %swap3A_424] {strides = array<i32>} : memref<32x1024xf32, #tpu.memory_space<vmem>>, vector<16xf32>,
      tpu.vector_store %arg7[%swap3A_423, %swap3A_424], %gather3A_422 {strides = array<i32>} : memref<32x1024xf32, #tpu.memory_space<vmem>>, vector<16xf32>,
      %get3A_426 = arith.index_cast %scan3A_8 : i32 to index
      %get3A_427 = arith.constant 960 : index
      %get3A_428 = tpu.vector_load %arg6[%get3A_426, %get3A_427] {strides = array<i32>} : memref<32x1024xi32, #tpu.memory_space<vmem>>, vector<16xi32>,
      %gather3A_429 = tpu.vector_load_idx %arg5[%broadcast_in_dim3A, %get3A_428] : memref<32x1024xf32, #tpu.memory_space<vmem>>[vector<16xi32>, vector<16xi32>], vector<16xf32>,
      %swap3A_430 = arith.index_cast %scan3A_8 : i32 to index
      %swap3A_431 = arith.constant 960 : index
      %swap3A_432 = tpu.vector_load %arg7[%swap3A_430, %swap3A_431] {strides = array<i32>} : memref<32x1024xf32, #tpu.memory_space<vmem>>, vector<16xf32>,
      tpu.vector_store %arg7[%swap3A_430, %swap3A_431], %gather3A_429 {strides = array<i32>} : memref<32x1024xf32, #tpu.memory_space<vmem>>, vector<16xf32>,
      %get3A_433 = arith.index_cast %scan3A_8 : i32 to index
      %get3A_434 = arith.constant 976 : index
      %get3A_435 = tpu.vector_load %arg6[%get3A_433, %get3A_434] {strides = array<i32>} : memref<32x1024xi32, #tpu.memory_space<vmem>>, vector<16xi32>,
      %gather3A_436 = tpu.vector_load_idx %arg5[%broadcast_in_dim3A, %get3A_435] : memref<32x1024xf32, #tpu.memory_space<vmem>>[vector<16xi32>, vector<16xi32>], vector<16xf32>,
      %swap3A_437 = arith.index_cast %scan3A_8 : i32 to index
      %swap3A_438 = arith.constant 976 : index
      %swap3A_439 = tpu.vector_load %arg7[%swap3A_437, %swap3A_438] {strides = array<i32>} : memref<32x1024xf32, #tpu.memory_space<vmem>>, vector<16xf32>,
      tpu.vector_store %arg7[%swap3A_437, %swap3A_438], %gather3A_436 {strides = array<i32>} : memref<32x1024xf32, #tpu.memory_space<vmem>>, vector<16xf32>,
      %get3A_440 = arith.index_cast %scan3A_8 : i32 to index
      %get3A_441 = arith.constant 992 : index
      %get3A_442 = tpu.vector_load %arg6[%get3A_440, %get3A_441] {strides = array<i32>} : memref<32x1024xi32, #tpu.memory_space<vmem>>, vector<16xi32>,
      %gather3A_443 = tpu.vector_load_idx %arg5[%broadcast_in_dim3A, %get3A_442] : memref<32x1024xf32, #tpu.memory_space<vmem>>[vector<16xi32>, vector<16xi32>], vector<16xf32>,
      %swap3A_444 = arith.index_cast %scan3A_8 : i32 to index
      %swap3A_445 = arith.constant 992 : index
      %swap3A_446 = tpu.vector_load %arg7[%swap3A_444, %swap3A_445] {strides = array<i32>} : memref<32x1024xf32, #tpu.memory_space<vmem>>, vector<16xf32>,
      tpu.vector_store %arg7[%swap3A_444, %swap3A_445], %gather3A_443 {strides = array<i32>} : memref<32x1024xf32, #tpu.memory_space<vmem>>, vector<16xf32>,
      %get3A_447 = arith.index_cast %scan3A_8 : i32 to index
      %get3A_448 = arith.constant 1008 : index
      %get3A_449 = tpu.vector_load %arg6[%get3A_447, %get3A_448] {strides = array<i32>} : memref<32x1024xi32, #tpu.memory_space<vmem>>, vector<16xi32>,
      %gather3A_450 = tpu.vector_load_idx %arg5[%broadcast_in_dim3A, %get3A_449] : memref<32x1024xf32, #tpu.memory_space<vmem>>[vector<16xi32>, vector<16xi32>], vector<16xf32>,
      %swap3A_451 = arith.index_cast %scan3A_8 : i32 to index
      %swap3A_452 = arith.constant 1008 : index
      %swap3A_453 = tpu.vector_load %arg7[%swap3A_451, %swap3A_452] {strides = array<i32>} : memref<32x1024xf32, #tpu.memory_space<vmem>>, vector<16xf32>,
      tpu.vector_store %arg7[%swap3A_451, %swap3A_452], %gather3A_450 {strides = array<i32>} : memref<32x1024xf32, #tpu.memory_space<vmem>>, vector<16xf32>,
    }
    %scan3A_7 = arith.constant 32 : i32
    "tpu.region"() ({
      %run_scoped3A = tpu.sem_alloc : memref<!tpu.dma_semaphore, #tpu.memory_space<semaphore_mem>>
      %dma_start3A = arith.constant 0 : i32
      %dma_start3A_8 = tpu.memref_slice %arg4[%mul3A_2, %dma_start3A] : memref<1024x1024xf32, #tpu.memory_space<hbm>> -> memref<32x1024xf32, #tpu.memory_space<hbm>>
      %dma_start3A_9 = arith.constant 0 : i32
      %dma_start3A_10 = tpu.memref_slice %arg4[%mul3A_2, %dma_start3A_9] : memref<1024x1024xf32, #tpu.memory_space<hbm>> -> memref<32x1024xf32, #tpu.memory_space<hbm>>
      tpu.enqueue_dma source(%arg7 : memref<32x1024xf32, #tpu.memory_space<vmem>>) target(%dma_start3A_10 : memref<32x1024xf32, #tpu.memory_space<hbm>>) target_semaphore(%run_scoped3A : memref<!tpu.dma_semaphore, #tpu.memory_space<semaphore_mem>>)
      %dma_wait3A = arith.constant 0 : i32
      %dma_wait3A_11 = tpu.memref_slice %arg4[%mul3A_2, %dma_wait3A] : memref<1024x1024xf32, #tpu.memory_space<hbm>> -> memref<32x1024xf32, #tpu.memory_space<hbm>>
      %dma_wait3A_12 = arith.constant 0 : i32
      %dma_wait3A_13 = tpu.memref_slice %arg4[%mul3A_2, %dma_wait3A_12] : memref<1024x1024xf32, #tpu.memory_space<hbm>> -> memref<32x1024xf32, #tpu.memory_space<hbm>>
      tpu.wait_dma2 semaphore(%run_scoped3A : memref<!tpu.dma_semaphore, #tpu.memory_space<semaphore_mem>>) src(%arg7 : memref<32x1024xf32, #tpu.memory_space<vmem>>) dst(%dma_wait3A_13 : memref<32x1024xf32, #tpu.memory_space<hbm>>)
      tpu.yield
    }) : () -> ()
    return
  }
}

module attributes {stable_mosaic.version = 14 : i64} {
  func.func @_tc_body(%arg0: i32, %arg1: memref<64x1024xf32, #tpu.memory_space<vmem>>, %arg2: memref<7x512xf32, #tpu.memory_space<vmem>>, %arg3: memref<7x512xf32, #tpu.memory_space<vmem>>, %arg4: memref<64x7x8x128xf32, #tpu.memory_space<vmem>>) attributes {dimension_semantics = [#tpu.dimension_semantics<arbitrary>], iteration_bounds = array<i64: 16>, scalar_prefetch = 0 : i64, scratch_operands = 0 : i64, tpu.core_type = #tpu.core_type<tc>, window_params = [{transform_indices = @transform_0, window_bounds = array<i64: 64, 1024>}, {pipeline_mode = #tpu.pipeline_mode<synchronous>, transform_indices = @transform_1, window_bounds = array<i64: 7, 512>}, {pipeline_mode = #tpu.pipeline_mode<synchronous>, transform_indices = @transform_2, window_bounds = array<i64: 7, 512>}, {transform_indices = @transform_3, window_bounds = array<i64: 64, 7, 8, 128>}]} {
    %get3A = arith.constant 0 : index
    %get3A_0 = arith.constant 0 : index
    %get3A_1 = vector.load %arg1[%get3A, %get3A_0] : memref<64x1024xf32, #tpu.memory_space<vmem>>, vector<64x512xf32>
    %get3A_2 = arith.constant 0 : index
    %get3A_3 = arith.constant 512 : index
    %get3A_4 = vector.load %arg1[%get3A_2, %get3A_3] : memref<64x1024xf32, #tpu.memory_space<vmem>>, vector<64x512xf32>
    %cos3A = math.cos %get3A_1 : vector<64x512xf32>
    %sin3A = math.sin %get3A_1 : vector<64x512xf32>
    %cos3A_5 = math.cos %get3A_4 : vector<64x512xf32>
    %sin3A_6 = math.sin %get3A_4 : vector<64x512xf32>
    %mul3A = arith.mulf %sin3A, %sin3A_6 : vector<64x512xf32>
    %mul3A_7 = arith.mulf %cos3A, %cos3A_5 : vector<64x512xf32>
    %mul3A_8 = arith.constant 5.000000e-01 : f32
    %mul3A_9 = vector.broadcast %mul3A_8 : f32 to vector<64x512xf32>
    %mul3A_10 = arith.mulf %mul3A_9, %mul3A_7 : vector<64x512xf32>
    %add3A = arith.constant 5.000000e-01 : f32
    %add3A_11 = vector.broadcast %add3A : f32 to vector<64x512xf32>
    %add3A_12 = arith.addf %add3A_11, %mul3A_10 : vector<64x512xf32>
    %reshape3A = vector.shape_cast %add3A_12 : vector<64x512xf32> to vector<64x4x128xf32>
    %get3A_13 = arith.constant 0 : index
    %get3A_14 = arith.constant 0 : index
    %get3A_15 = vector.load %arg2[%get3A_13, %get3A_14] : memref<7x512xf32, #tpu.memory_space<vmem>>, vector<1x512xf32>
    %get3A_16 = vector.shape_cast %get3A_15 : vector<1x512xf32> to vector<512xf32>
    %broadcast_in_dim3A = vector.shape_cast %get3A_16 : vector<512xf32> to vector<1x512xf32>
    %get3A_17 = arith.constant 0 : index
    %get3A_18 = arith.constant 0 : index
    %get3A_19 = vector.load %arg3[%get3A_17, %get3A_18] : memref<7x512xf32, #tpu.memory_space<vmem>>, vector<1x512xf32>
    %get3A_20 = vector.shape_cast %get3A_19 : vector<1x512xf32> to vector<512xf32>
    %broadcast_in_dim3A_21 = vector.shape_cast %get3A_20 : vector<512xf32> to vector<1x512xf32>
    %mul3A_22 = vector.broadcast %broadcast_in_dim3A : vector<1x512xf32> to vector<64x512xf32>
    %mul3A_23 = arith.mulf %mul3A_22, %cos3A : vector<64x512xf32>
    %add3A_24 = arith.constant 5.000000e-01 : f32
    %add3A_25 = vector.broadcast %add3A_24 : f32 to vector<64x512xf32>
    %add3A_26 = arith.addf %add3A_25, %mul3A_23 : vector<64x512xf32>
    %mul3A_27 = vector.broadcast %broadcast_in_dim3A_21 : vector<1x512xf32> to vector<64x512xf32>
    %mul3A_28 = arith.mulf %mul3A_27, %mul3A : vector<64x512xf32>
    %sub3A = arith.subf %add3A_26, %mul3A_28 : vector<64x512xf32>
    %reshape3A_29 = vector.shape_cast %sub3A : vector<64x512xf32> to vector<64x4x128xf32>
    %stack3A = vector.shape_cast %reshape3A_29 : vector<64x4x128xf32> to vector<64x4x1x128xf32>
    %stack3A_30 = vector.shape_cast %reshape3A : vector<64x4x128xf32> to vector<64x4x1x128xf32>
    %stack3A_31 = tpu.concatenate %stack3A, %stack3A_30 in 2 : vector<64x4x1x128xf32>, vector<64x4x1x128xf32> -> vector<64x4x2x128xf32>
    %reshape3A_32 = vector.shape_cast %stack3A_31 : vector<64x4x2x128xf32> to vector<64x8x128xf32>
    %swap3A = arith.constant 0 : index
    %swap3A_33 = arith.constant 0 : index
    %swap3A_34 = arith.constant 0 : index
    %swap3A_35 = arith.constant 0 : index
    %swap3A_36 = vector.load %arg4[%swap3A, %swap3A_33, %swap3A_34, %swap3A_35] : memref<64x7x8x128xf32, #tpu.memory_space<vmem>>, vector<64x1x8x128xf32>
    %swap3A_37 = vector.shape_cast %swap3A_36 : vector<64x1x8x128xf32> to vector<64x8x128xf32>
    %swap3A_38 = vector.shape_cast %reshape3A_32 : vector<64x8x128xf32> to vector<64x1x8x128xf32>
    tpu.vector_store %arg4[%swap3A, %swap3A_33, %swap3A_34, %swap3A_35], %swap3A_38 {strides = array<i32>} : memref<64x7x8x128xf32, #tpu.memory_space<vmem>>, vector<64x1x8x128xf32>,
    %get3A_39 = arith.constant 1 : index
    %get3A_40 = arith.constant 0 : index
    %get3A_41 = vector.load %arg2[%get3A_39, %get3A_40] : memref<7x512xf32, #tpu.memory_space<vmem>>, vector<1x512xf32>
    %get3A_42 = vector.shape_cast %get3A_41 : vector<1x512xf32> to vector<512xf32>
    %broadcast_in_dim3A_43 = vector.shape_cast %get3A_42 : vector<512xf32> to vector<1x512xf32>
    %get3A_44 = arith.constant 1 : index
    %get3A_45 = arith.constant 0 : index
    %get3A_46 = vector.load %arg3[%get3A_44, %get3A_45] : memref<7x512xf32, #tpu.memory_space<vmem>>, vector<1x512xf32>
    %get3A_47 = vector.shape_cast %get3A_46 : vector<1x512xf32> to vector<512xf32>
    %broadcast_in_dim3A_48 = vector.shape_cast %get3A_47 : vector<512xf32> to vector<1x512xf32>
    %mul3A_49 = vector.broadcast %broadcast_in_dim3A_43 : vector<1x512xf32> to vector<64x512xf32>
    %mul3A_50 = arith.mulf %mul3A_49, %cos3A : vector<64x512xf32>
    %add3A_51 = arith.constant 5.000000e-01 : f32
    %add3A_52 = vector.broadcast %add3A_51 : f32 to vector<64x512xf32>
    %add3A_53 = arith.addf %add3A_52, %mul3A_50 : vector<64x512xf32>
    %mul3A_54 = vector.broadcast %broadcast_in_dim3A_48 : vector<1x512xf32> to vector<64x512xf32>
    %mul3A_55 = arith.mulf %mul3A_54, %mul3A : vector<64x512xf32>
    %sub3A_56 = arith.subf %add3A_53, %mul3A_55 : vector<64x512xf32>
    %reshape3A_57 = vector.shape_cast %sub3A_56 : vector<64x512xf32> to vector<64x4x128xf32>
    %stack3A_58 = vector.shape_cast %reshape3A_57 : vector<64x4x128xf32> to vector<64x4x1x128xf32>
    %stack3A_59 = vector.shape_cast %reshape3A : vector<64x4x128xf32> to vector<64x4x1x128xf32>
    %stack3A_60 = tpu.concatenate %stack3A_58, %stack3A_59 in 2 : vector<64x4x1x128xf32>, vector<64x4x1x128xf32> -> vector<64x4x2x128xf32>
    %reshape3A_61 = vector.shape_cast %stack3A_60 : vector<64x4x2x128xf32> to vector<64x8x128xf32>
    %swap3A_62 = arith.constant 0 : index
    %swap3A_63 = arith.constant 1 : index
    %swap3A_64 = arith.constant 0 : index
    %swap3A_65 = arith.constant 0 : index
    %swap3A_66 = vector.load %arg4[%swap3A_62, %swap3A_63, %swap3A_64, %swap3A_65] : memref<64x7x8x128xf32, #tpu.memory_space<vmem>>, vector<64x1x8x128xf32>
    %swap3A_67 = vector.shape_cast %swap3A_66 : vector<64x1x8x128xf32> to vector<64x8x128xf32>
    %swap3A_68 = vector.shape_cast %reshape3A_61 : vector<64x8x128xf32> to vector<64x1x8x128xf32>
    tpu.vector_store %arg4[%swap3A_62, %swap3A_63, %swap3A_64, %swap3A_65], %swap3A_68 {strides = array<i32>} : memref<64x7x8x128xf32, #tpu.memory_space<vmem>>, vector<64x1x8x128xf32>,
    %get3A_69 = arith.constant 2 : index
    %get3A_70 = arith.constant 0 : index
    %get3A_71 = vector.load %arg2[%get3A_69, %get3A_70] : memref<7x512xf32, #tpu.memory_space<vmem>>, vector<1x512xf32>
    %get3A_72 = vector.shape_cast %get3A_71 : vector<1x512xf32> to vector<512xf32>
    %broadcast_in_dim3A_73 = vector.shape_cast %get3A_72 : vector<512xf32> to vector<1x512xf32>
    %get3A_74 = arith.constant 2 : index
    %get3A_75 = arith.constant 0 : index
    %get3A_76 = vector.load %arg3[%get3A_74, %get3A_75] : memref<7x512xf32, #tpu.memory_space<vmem>>, vector<1x512xf32>
    %get3A_77 = vector.shape_cast %get3A_76 : vector<1x512xf32> to vector<512xf32>
    %broadcast_in_dim3A_78 = vector.shape_cast %get3A_77 : vector<512xf32> to vector<1x512xf32>
    %mul3A_79 = vector.broadcast %broadcast_in_dim3A_73 : vector<1x512xf32> to vector<64x512xf32>
    %mul3A_80 = arith.mulf %mul3A_79, %cos3A : vector<64x512xf32>
    %add3A_81 = arith.constant 5.000000e-01 : f32
    %add3A_82 = vector.broadcast %add3A_81 : f32 to vector<64x512xf32>
    %add3A_83 = arith.addf %add3A_82, %mul3A_80 : vector<64x512xf32>
    %mul3A_84 = vector.broadcast %broadcast_in_dim3A_78 : vector<1x512xf32> to vector<64x512xf32>
    %mul3A_85 = arith.mulf %mul3A_84, %mul3A : vector<64x512xf32>
    %sub3A_86 = arith.subf %add3A_83, %mul3A_85 : vector<64x512xf32>
    %reshape3A_87 = vector.shape_cast %sub3A_86 : vector<64x512xf32> to vector<64x4x128xf32>
    %stack3A_88 = vector.shape_cast %reshape3A_87 : vector<64x4x128xf32> to vector<64x4x1x128xf32>
    %stack3A_89 = vector.shape_cast %reshape3A : vector<64x4x128xf32> to vector<64x4x1x128xf32>
    %stack3A_90 = tpu.concatenate %stack3A_88, %stack3A_89 in 2 : vector<64x4x1x128xf32>, vector<64x4x1x128xf32> -> vector<64x4x2x128xf32>
    %reshape3A_91 = vector.shape_cast %stack3A_90 : vector<64x4x2x128xf32> to vector<64x8x128xf32>
    %swap3A_92 = arith.constant 0 : index
    %swap3A_93 = arith.constant 2 : index
    %swap3A_94 = arith.constant 0 : index
    %swap3A_95 = arith.constant 0 : index
    %swap3A_96 = vector.load %arg4[%swap3A_92, %swap3A_93, %swap3A_94, %swap3A_95] : memref<64x7x8x128xf32, #tpu.memory_space<vmem>>, vector<64x1x8x128xf32>
    %swap3A_97 = vector.shape_cast %swap3A_96 : vector<64x1x8x128xf32> to vector<64x8x128xf32>
    %swap3A_98 = vector.shape_cast %reshape3A_91 : vector<64x8x128xf32> to vector<64x1x8x128xf32>
    tpu.vector_store %arg4[%swap3A_92, %swap3A_93, %swap3A_94, %swap3A_95], %swap3A_98 {strides = array<i32>} : memref<64x7x8x128xf32, #tpu.memory_space<vmem>>, vector<64x1x8x128xf32>,
    %get3A_99 = arith.constant 3 : index
    %get3A_100 = arith.constant 0 : index
    %get3A_101 = vector.load %arg2[%get3A_99, %get3A_100] : memref<7x512xf32, #tpu.memory_space<vmem>>, vector<1x512xf32>
    %get3A_102 = vector.shape_cast %get3A_101 : vector<1x512xf32> to vector<512xf32>
    %broadcast_in_dim3A_103 = vector.shape_cast %get3A_102 : vector<512xf32> to vector<1x512xf32>
    %get3A_104 = arith.constant 3 : index
    %get3A_105 = arith.constant 0 : index
    %get3A_106 = vector.load %arg3[%get3A_104, %get3A_105] : memref<7x512xf32, #tpu.memory_space<vmem>>, vector<1x512xf32>
    %get3A_107 = vector.shape_cast %get3A_106 : vector<1x512xf32> to vector<512xf32>
    %broadcast_in_dim3A_108 = vector.shape_cast %get3A_107 : vector<512xf32> to vector<1x512xf32>
    %mul3A_109 = vector.broadcast %broadcast_in_dim3A_103 : vector<1x512xf32> to vector<64x512xf32>
    %mul3A_110 = arith.mulf %mul3A_109, %cos3A : vector<64x512xf32>
    %add3A_111 = arith.constant 5.000000e-01 : f32
    %add3A_112 = vector.broadcast %add3A_111 : f32 to vector<64x512xf32>
    %add3A_113 = arith.addf %add3A_112, %mul3A_110 : vector<64x512xf32>
    %mul3A_114 = vector.broadcast %broadcast_in_dim3A_108 : vector<1x512xf32> to vector<64x512xf32>
    %mul3A_115 = arith.mulf %mul3A_114, %mul3A : vector<64x512xf32>
    %sub3A_116 = arith.subf %add3A_113, %mul3A_115 : vector<64x512xf32>
    %reshape3A_117 = vector.shape_cast %sub3A_116 : vector<64x512xf32> to vector<64x4x128xf32>
    %stack3A_118 = vector.shape_cast %reshape3A_117 : vector<64x4x128xf32> to vector<64x4x1x128xf32>
    %stack3A_119 = vector.shape_cast %reshape3A : vector<64x4x128xf32> to vector<64x4x1x128xf32>
    %stack3A_120 = tpu.concatenate %stack3A_118, %stack3A_119 in 2 : vector<64x4x1x128xf32>, vector<64x4x1x128xf32> -> vector<64x4x2x128xf32>
    %reshape3A_121 = vector.shape_cast %stack3A_120 : vector<64x4x2x128xf32> to vector<64x8x128xf32>
    %swap3A_122 = arith.constant 0 : index
    %swap3A_123 = arith.constant 3 : index
    %swap3A_124 = arith.constant 0 : index
    %swap3A_125 = arith.constant 0 : index
    %swap3A_126 = vector.load %arg4[%swap3A_122, %swap3A_123, %swap3A_124, %swap3A_125] : memref<64x7x8x128xf32, #tpu.memory_space<vmem>>, vector<64x1x8x128xf32>
    %swap3A_127 = vector.shape_cast %swap3A_126 : vector<64x1x8x128xf32> to vector<64x8x128xf32>
    %swap3A_128 = vector.shape_cast %reshape3A_121 : vector<64x8x128xf32> to vector<64x1x8x128xf32>
    tpu.vector_store %arg4[%swap3A_122, %swap3A_123, %swap3A_124, %swap3A_125], %swap3A_128 {strides = array<i32>} : memref<64x7x8x128xf32, #tpu.memory_space<vmem>>, vector<64x1x8x128xf32>,
    %get3A_129 = arith.constant 4 : index
    %get3A_130 = arith.constant 0 : index
    %get3A_131 = vector.load %arg2[%get3A_129, %get3A_130] : memref<7x512xf32, #tpu.memory_space<vmem>>, vector<1x512xf32>
    %get3A_132 = vector.shape_cast %get3A_131 : vector<1x512xf32> to vector<512xf32>
    %broadcast_in_dim3A_133 = vector.shape_cast %get3A_132 : vector<512xf32> to vector<1x512xf32>
    %get3A_134 = arith.constant 4 : index
    %get3A_135 = arith.constant 0 : index
    %get3A_136 = vector.load %arg3[%get3A_134, %get3A_135] : memref<7x512xf32, #tpu.memory_space<vmem>>, vector<1x512xf32>
    %get3A_137 = vector.shape_cast %get3A_136 : vector<1x512xf32> to vector<512xf32>
    %broadcast_in_dim3A_138 = vector.shape_cast %get3A_137 : vector<512xf32> to vector<1x512xf32>
    %mul3A_139 = vector.broadcast %broadcast_in_dim3A_133 : vector<1x512xf32> to vector<64x512xf32>
    %mul3A_140 = arith.mulf %mul3A_139, %cos3A : vector<64x512xf32>
    %add3A_141 = arith.constant 5.000000e-01 : f32
    %add3A_142 = vector.broadcast %add3A_141 : f32 to vector<64x512xf32>
    %add3A_143 = arith.addf %add3A_142, %mul3A_140 : vector<64x512xf32>
    %mul3A_144 = vector.broadcast %broadcast_in_dim3A_138 : vector<1x512xf32> to vector<64x512xf32>
    %mul3A_145 = arith.mulf %mul3A_144, %mul3A : vector<64x512xf32>
    %sub3A_146 = arith.subf %add3A_143, %mul3A_145 : vector<64x512xf32>
    %reshape3A_147 = vector.shape_cast %sub3A_146 : vector<64x512xf32> to vector<64x4x128xf32>
    %stack3A_148 = vector.shape_cast %reshape3A_147 : vector<64x4x128xf32> to vector<64x4x1x128xf32>
    %stack3A_149 = vector.shape_cast %reshape3A : vector<64x4x128xf32> to vector<64x4x1x128xf32>
    %stack3A_150 = tpu.concatenate %stack3A_148, %stack3A_149 in 2 : vector<64x4x1x128xf32>, vector<64x4x1x128xf32> -> vector<64x4x2x128xf32>
    %reshape3A_151 = vector.shape_cast %stack3A_150 : vector<64x4x2x128xf32> to vector<64x8x128xf32>
    %swap3A_152 = arith.constant 0 : index
    %swap3A_153 = arith.constant 4 : index
    %swap3A_154 = arith.constant 0 : index
    %swap3A_155 = arith.constant 0 : index
    %swap3A_156 = vector.load %arg4[%swap3A_152, %swap3A_153, %swap3A_154, %swap3A_155] : memref<64x7x8x128xf32, #tpu.memory_space<vmem>>, vector<64x1x8x128xf32>
    %swap3A_157 = vector.shape_cast %swap3A_156 : vector<64x1x8x128xf32> to vector<64x8x128xf32>
    %swap3A_158 = vector.shape_cast %reshape3A_151 : vector<64x8x128xf32> to vector<64x1x8x128xf32>
    tpu.vector_store %arg4[%swap3A_152, %swap3A_153, %swap3A_154, %swap3A_155], %swap3A_158 {strides = array<i32>} : memref<64x7x8x128xf32, #tpu.memory_space<vmem>>, vector<64x1x8x128xf32>,
    %get3A_159 = arith.constant 5 : index
    %get3A_160 = arith.constant 0 : index
    %get3A_161 = vector.load %arg2[%get3A_159, %get3A_160] : memref<7x512xf32, #tpu.memory_space<vmem>>, vector<1x512xf32>
    %get3A_162 = vector.shape_cast %get3A_161 : vector<1x512xf32> to vector<512xf32>
    %broadcast_in_dim3A_163 = vector.shape_cast %get3A_162 : vector<512xf32> to vector<1x512xf32>
    %get3A_164 = arith.constant 5 : index
    %get3A_165 = arith.constant 0 : index
    %get3A_166 = vector.load %arg3[%get3A_164, %get3A_165] : memref<7x512xf32, #tpu.memory_space<vmem>>, vector<1x512xf32>
    %get3A_167 = vector.shape_cast %get3A_166 : vector<1x512xf32> to vector<512xf32>
    %broadcast_in_dim3A_168 = vector.shape_cast %get3A_167 : vector<512xf32> to vector<1x512xf32>
    %mul3A_169 = vector.broadcast %broadcast_in_dim3A_163 : vector<1x512xf32> to vector<64x512xf32>
    %mul3A_170 = arith.mulf %mul3A_169, %cos3A : vector<64x512xf32>
    %add3A_171 = arith.constant 5.000000e-01 : f32
    %add3A_172 = vector.broadcast %add3A_171 : f32 to vector<64x512xf32>
    %add3A_173 = arith.addf %add3A_172, %mul3A_170 : vector<64x512xf32>
    %mul3A_174 = vector.broadcast %broadcast_in_dim3A_168 : vector<1x512xf32> to vector<64x512xf32>
    %mul3A_175 = arith.mulf %mul3A_174, %mul3A : vector<64x512xf32>
    %sub3A_176 = arith.subf %add3A_173, %mul3A_175 : vector<64x512xf32>
    %reshape3A_177 = vector.shape_cast %sub3A_176 : vector<64x512xf32> to vector<64x4x128xf32>
    %stack3A_178 = vector.shape_cast %reshape3A_177 : vector<64x4x128xf32> to vector<64x4x1x128xf32>
    %stack3A_179 = vector.shape_cast %reshape3A : vector<64x4x128xf32> to vector<64x4x1x128xf32>
    %stack3A_180 = tpu.concatenate %stack3A_178, %stack3A_179 in 2 : vector<64x4x1x128xf32>, vector<64x4x1x128xf32> -> vector<64x4x2x128xf32>
    %reshape3A_181 = vector.shape_cast %stack3A_180 : vector<64x4x2x128xf32> to vector<64x8x128xf32>
    %swap3A_182 = arith.constant 0 : index
    %swap3A_183 = arith.constant 5 : index
    %swap3A_184 = arith.constant 0 : index
    %swap3A_185 = arith.constant 0 : index
    %swap3A_186 = vector.load %arg4[%swap3A_182, %swap3A_183, %swap3A_184, %swap3A_185] : memref<64x7x8x128xf32, #tpu.memory_space<vmem>>, vector<64x1x8x128xf32>
    %swap3A_187 = vector.shape_cast %swap3A_186 : vector<64x1x8x128xf32> to vector<64x8x128xf32>
    %swap3A_188 = vector.shape_cast %reshape3A_181 : vector<64x8x128xf32> to vector<64x1x8x128xf32>
    tpu.vector_store %arg4[%swap3A_182, %swap3A_183, %swap3A_184, %swap3A_185], %swap3A_188 {strides = array<i32>} : memref<64x7x8x128xf32, #tpu.memory_space<vmem>>, vector<64x1x8x128xf32>,
    %get3A_189 = arith.constant 6 : index
    %get3A_190 = arith.constant 0 : index
    %get3A_191 = vector.load %arg2[%get3A_189, %get3A_190] : memref<7x512xf32, #tpu.memory_space<vmem>>, vector<1x512xf32>
    %get3A_192 = vector.shape_cast %get3A_191 : vector<1x512xf32> to vector<512xf32>
    %broadcast_in_dim3A_193 = vector.shape_cast %get3A_192 : vector<512xf32> to vector<1x512xf32>
    %get3A_194 = arith.constant 6 : index
    %get3A_195 = arith.constant 0 : index
    %get3A_196 = vector.load %arg3[%get3A_194, %get3A_195] : memref<7x512xf32, #tpu.memory_space<vmem>>, vector<1x512xf32>
    %get3A_197 = vector.shape_cast %get3A_196 : vector<1x512xf32> to vector<512xf32>
    %broadcast_in_dim3A_198 = vector.shape_cast %get3A_197 : vector<512xf32> to vector<1x512xf32>
    %mul3A_199 = vector.broadcast %broadcast_in_dim3A_193 : vector<1x512xf32> to vector<64x512xf32>
    %mul3A_200 = arith.mulf %mul3A_199, %cos3A : vector<64x512xf32>
    %add3A_201 = arith.constant 5.000000e-01 : f32
    %add3A_202 = vector.broadcast %add3A_201 : f32 to vector<64x512xf32>
    %add3A_203 = arith.addf %add3A_202, %mul3A_200 : vector<64x512xf32>
    %mul3A_204 = vector.broadcast %broadcast_in_dim3A_198 : vector<1x512xf32> to vector<64x512xf32>
    %mul3A_205 = arith.mulf %mul3A_204, %mul3A : vector<64x512xf32>
    %sub3A_206 = arith.subf %add3A_203, %mul3A_205 : vector<64x512xf32>
    %reshape3A_207 = vector.shape_cast %sub3A_206 : vector<64x512xf32> to vector<64x4x128xf32>
    %stack3A_208 = vector.shape_cast %reshape3A_207 : vector<64x4x128xf32> to vector<64x4x1x128xf32>
    %stack3A_209 = vector.shape_cast %reshape3A : vector<64x4x128xf32> to vector<64x4x1x128xf32>
    %stack3A_210 = tpu.concatenate %stack3A_208, %stack3A_209 in 2 : vector<64x4x1x128xf32>, vector<64x4x1x128xf32> -> vector<64x4x2x128xf32>
    %reshape3A_211 = vector.shape_cast %stack3A_210 : vector<64x4x2x128xf32> to vector<64x8x128xf32>
    %swap3A_212 = arith.constant 0 : index
    %swap3A_213 = arith.constant 6 : index
    %swap3A_214 = arith.constant 0 : index
    %swap3A_215 = arith.constant 0 : index
    %swap3A_216 = vector.load %arg4[%swap3A_212, %swap3A_213, %swap3A_214, %swap3A_215] : memref<64x7x8x128xf32, #tpu.memory_space<vmem>>, vector<64x1x8x128xf32>
    %swap3A_217 = vector.shape_cast %swap3A_216 : vector<64x1x8x128xf32> to vector<64x8x128xf32>
    %swap3A_218 = vector.shape_cast %reshape3A_211 : vector<64x8x128xf32> to vector<64x1x8x128xf32>
    tpu.vector_store %arg4[%swap3A_212, %swap3A_213, %swap3A_214, %swap3A_215], %swap3A_218 {strides = array<i32>} : memref<64x7x8x128xf32, #tpu.memory_space<vmem>>, vector<64x1x8x128xf32>,
    return
  }
  func.func @transform_0(%arg0: i32) -> (i32, i32) {
    %c0_i32 = arith.constant 0 : i32
    %c0_i32_0 = arith.constant 0 : i32
    return %arg0, %c0_i32 : i32, i32
  }
  func.func @transform_1(%arg0: i32) -> (i32, i32) {
    %c0_i32 = arith.constant 0 : i32
    %c0_i32_0 = arith.constant 0 : i32
    %c0_i32_1 = arith.constant 0 : i32
    return %c0_i32, %c0_i32_0 : i32, i32
  }
  func.func @transform_2(%arg0: i32) -> (i32, i32) {
    %c0_i32 = arith.constant 0 : i32
    %c0_i32_0 = arith.constant 0 : i32
    %c0_i32_1 = arith.constant 0 : i32
    return %c0_i32, %c0_i32_0 : i32, i32
  }
  func.func @transform_3(%arg0: i32) -> (i32, i32, i32, i32) {
    %c0_i32 = arith.constant 0 : i32
    %c0_i32_0 = arith.constant 0 : i32
    %c0_i32_1 = arith.constant 0 : i32
    %c0_i32_2 = arith.constant 0 : i32
    return %arg0, %c0_i32, %c0_i32_0, %c0_i32_1 : i32, i32, i32, i32
  }
}

</mosaic_0001>

<sc_bundles>
// kernel: kernel.4.cloned.1.call-start
scs
__scs_entry_jumppad:
0x0: {  	(pc) =	sbr.rel $0x88, $3  }
0x1: {  	(tag) =	ssettag $0x0;
	lr =	simm.s32 $0x1  }
0x2: {  	[smem:$0x3F9C] =	sst lr;
	_ =	strace $0xD0000000  }
0x3: {  	_ = 	snop  }
0x4: {  	_ = 	snop  }
0x5: {  	_ = 	snop  }
0x6: {  	_ = 	snop  }
0x7: {  	_ = 	snop  }
__scs_overlays_trampoline_lowered:
0x8: {  	[smem:$0x3FAB] =	sst s0  }
0x9: {  	[smem:$0x3FAC] =	sst s1  }
0xa: {  	[smem:$0x3FAD] =	sst s2  }
0xb: {  	[smem:$0x3FAE] =	sst s3  }
0xc: {  	[smem:$0x3FAF] =	sst s4  }
0xd: {  	[smem:$0x3FB0] =	sst s5  }
0xe: {  	[smem:$0x3FB1] =	sst s6  }
0xf: {  	[smem:$0x3FB2] =	sst s7  }
0x10: {  	[smem:$0x3FB3] =	sst s8  }
0x11: {  	[smem:$0x3FB4] =	sst s9;
	s0 =	simm.s32 @!p0 $0x0  }
0x12: {  	s1 =	sld [smem:$0x3F9A];
	s0 =	simm.s32 @p0 $0x1  }
0x13: {  	[smem:$0x3FB5] =	sst s0;
	s0 =	simm.s32 @!p1 $0x0  }
0x14: {  	s2 =	sld [smem:$0x3F99];
	s0 =	simm.s32 @p1 $0x1  }
0x15: {  	[smem:$0x3FB6] =	sst s0;
	s0 =	simm.s32 @!p2 $0x0  }
0x16: {  	s3 =	sld [smem:$0x3FDB];
	s0 =	simm.s32 @p2 $0x1  }
0x17: {  	s4 =	simm.s32 $0x1BF5;
	[smem:$0x3FB8] =	sst s0  }
0x18: {  	s0 =	sld [smem:$0x3F9B];
	_ =	swait.ge [sflag:s4], $0x0  }
0x19: {  	s7 =	sld [smem:$0x3F9C]  }
0x1a: {  	s8 =	sadd.s32 $0xFFFFE003, lr  }
0x1b: {  	s9 =	sadd.s32 $0xFFFFFEF7, lr;
	s5 =	simm.s32 $0xFFFFFFFF;
	p2 =	slt.u32 s8, $0xFFFFF086  }
0x1c: {  	p1 =	slt.u32 s9, $0xF7A;
	s5 =	simm.s32 @!p2 $0x0  }
0x1d: {  	s5 =	simm.s32 @p1 $0x1;
	p0 =	seq.s32 s7, s2  }
0x1e: {  	s7 =	smul.u32 @!p0 $0xF7A, s2;
	p2 =	seq.s32 @!p0 s5, $0x0  }
0x1f: {  	s9 =	smul.u32 $0xF7A, s1;
	s8 =	simm.s32 @!p0 $0x1BF5;
	p2 =	por !p2, p0  }
0x20: {  	[sflag:s8] =	ssyncset.s32 @!p0 $0xFFFFF086;
	s6 =	sadd.s32 @!p0 s3, s7;
	s7 =	simm.s32 @!p0 $0x108  }
0x21: {  	s3 =	sadd.s32 s3, s9;
	s6 =	sadd.s32 @!p0 $0x88, s6;
	s7 =	simm.s32 @p2 $0x1082  }
0x22: {  	[simem:s7], [sflag:s8] =	dma.local @!p0 [hbm:s6], $0xF7A  }
0x23: {  	s9 =	sor.u32 $0xD0000000, s2;
	s6 =	simm.s32 $0x108;
	_ =	swait.ge @!p0 [sflag:s8], $0x0  }
0x24: {  	s3 =	sadd.s32 $0x88, s3;
	s6 =	simm.s32 @!p1 $0x1082;
	[sflag:s4] =	ssyncset.s32 $0xFFFFF086  }
0x25: {  	[simem:s6], [sflag:s4] =	dma.local [hbm:s3], $0xF7A  }
0x26: {  	[smem:$0x3F9C] =	sst s1;
	(tag) =	ssettag s2;
	_ =	strace s9  }
0x27: {  	s1 =	sld [smem:$0x3FAC]  }
0x28: {  	s2 =	sld [smem:$0x3FAD]  }
0x29: {  	s4 =	sld [smem:$0x3FAF]  }
0x2a: {  	p0 =	seq.s32 s5, $0x0;
	s5 =	sld [smem:$0x3FB0]  }
0x2b: {  	s6 =	sld [smem:$0x3FB1]  }
0x2c: {  	s7 =	sld [smem:$0x3FB2]  }
0x2d: {  	s3 =	simm.s32 $0x108;
	s8 =	sld [smem:$0x3FB3]  }
0x2e: {  	s3 =	simm.s32 @!p0 $0x1082;
	s9 =	sld [smem:$0x3FB4]  }
0x2f: {  	lr =	sadd.s32 s0, s3;
	s0 =	sld [smem:$0x3FAB]  }
0x30: {  	s3 =	sld [smem:$0x3FAE]  }
0x31: {  	[smem:$0x3FB7] =	sst s10  }
0x32: {  	s10 =	sld [smem:$0x3FB5];
	_ =	sdelay $0x3  }
0x33: {  	p0 =	seq.s32 s10, $0x1;
	s10 =	sld [smem:$0x3FB7];
	_ =	sdelay $0x3  }
0x34: {  	[smem:$0x3FB7] =	sst s10  }
0x35: {  	s10 =	sld [smem:$0x3FB6];
	_ =	sdelay $0x3  }
0x36: {  	p1 =	seq.s32 s10, $0x1;
	s10 =	sld [smem:$0x3FB7];
	_ =	sdelay $0x3  }
0x37: {  	[smem:$0x3FB7] =	sst s10  }
0x38: {  	s10 =	sld [smem:$0x3FB8]  }
0x39: {  	_ = 	snop;
	(pc) =	sbr.ind lr, $3  }
0x3a: {  	_ = 	snop  }
0x3b: {  	_ = 	snop  }
0x3c: {  	p2 =	seq.s32 s10, $0x1;
	s10 =	sld [smem:$0x3FB7]  }
0x3d: {  	_ =	shalt  }
0x3e: {  	_ =	shalt  }
0x3f: {  	_ =	shalt  }
0x40: {  	_ =	shalt  }
0x41: {  	_ =	shalt  }
0x42: {  	_ =	shalt  }
0x43: {  	_ =	shalt  }
0x44: {  	_ =	shalt  }
0x45: {  	_ =	shalt  }
0x46: {  	_ =	shalt  }
0x47: {  	_ =	shalt  }
0x48: {  	_ =	shalt  }
0x49: {  	_ =	shalt  }
0x4a: {  	_ =	shalt  }
0x4b: {  	_ =	shalt  }
0x4c: {  	_ =	shalt  }
0x4d: {  	_ =	shalt  }
0x4e: {  	_ =	shalt  }
0x4f: {  	_ =	shalt  }
0x50: {  	_ =	shalt  }
0x51: {  	_ =	shalt  }
0x52: {  	_ =	shalt  }
0x53: {  	_ =	shalt  }
0x54: {  	_ =	shalt  }
0x55: {  	_ =	shalt  }
0x56: {  	_ =	shalt  }
0x57: {  	_ =	shalt  }
0x58: {  	_ =	shalt  }
0x59: {  	_ =	shalt  }
0x5a: {  	_ =	shalt  }
0x5b: {  	_ =	shalt  }
0x5c: {  	_ =	shalt  }
0x5d: {  	_ =	shalt  }
0x5e: {  	_ =	shalt  }
0x5f: {  	_ =	shalt  }
0x60: {  	_ =	shalt  }
0x61: {  	_ =	shalt  }
0x62: {  	_ =	shalt  }
0x63: {  	_ =	shalt  }
0x64: {  	_ =	shalt  }
0x65: {  	_ =	shalt  }
0x66: {  	_ =	shalt  }
0x67: {  	_ =	shalt  }
0x68: {  	_ =	shalt  }
0x69: {  	_ =	shalt  }
0x6a: {  	_ =	shalt  }
0x6b: {  	_ =	shalt  }
0x6c: {  	_ =	shalt  }
0x6d: {  	_ =	shalt  }
0x6e: {  	_ =	shalt  }
0x6f: {  	_ =	shalt  }
0x70: {  	_ =	shalt  }
0x71: {  	_ =	shalt  }
0x72: {  	_ =	shalt  }
0x73: {  	_ =	shalt  }
0x74: {  	_ =	shalt  }
0x75: {  	_ =	shalt  }
0x76: {  	_ =	shalt  }
0x77: {  	_ =	shalt  }
0x78: {  	_ =	shalt  }
0x79: {  	_ =	shalt  }
0x7a: {  	_ =	shalt  }
0x7b: {  	_ =	shalt  }
0x7c: {  	_ =	shalt  }
0x7d: {  	_ =	shalt  }
0x7e: {  	_ =	shalt  }
0x7f: {  	_ =	shalt  }
0x80: {  	_ =	shalt  }
0x81: {  	_ =	shalt  }
0x82: {  	_ =	shalt  }
0x83: {  	_ =	shalt  }
0x84: {  	_ =	shalt  }
0x85: {  	_ =	shalt  }
0x86: {  	_ =	shalt  }
0x87: {  	_ =	shalt  }
.Lfunc_end0:
.L_simem_size_0:
called_computation_lowered:
.L_overlay_start_0:
0x88: {  	s2 =	sld [smem:$0x3FD9]  }
0x89: {  	s3 =	sld [smem:$0x3FFE];
	_ =	sdelay $0x1  }
0x8a: {  	s1 =	srdreg.scid  }
0x8b: {  	s0 =	sand.u32 $0x1, s1  }
0x8c: {  	s17 =	sshll.u32 s0, $0xA;
	s2 =	sadd.s32 s3, s2  }
0x8d: {  	s2 =	sadd.s32 s2, s17  }
0x8e: {  	[smem:$0x3FC3] =	sst s2  }
0x8f: {  	_ = 	snop  }
0x90: {  	s2 =	sld [smem:$0x3FD0];
	(tm) =	ssettm $0x1  }
0x91: {  	s18 =	sld [smem:$0x3FFB];
	_ =	sdelay $0x3  }
0x92: {  	_ =	strace s18  }
0x93: {  	s3 =	sld [smem:$0x3FFC];
	_ =	sdelay $0x3  }
0x94: {  	_ =	strace s3  }
0x95: {  	s3 =	sld [smem:$0x3FFD];
	_ =	sdelay $0x3  }
0x96: {  	_ =	strace s3  }
0x97: {  	_ =	strace $0x8FFFFFFF  }
0x98: {  	s19 =	sld [smem:$0x3FDB];
	_ =	sdelay $0x1  }
0x99: {  	s4 =	simm.s32 $_scs_section_size  }
0x9a: {  	s5 =	simm.s32 $_size__tile_overlayer_lowered;
	s6 =	simm.s32 $_tile_overlayer_lowered  }
0x9b: {  	s22 =	simm.s32 $0x1BFF;
	s21 =	sshll.u32 s6, $0x1;
	s3 =	sadd.s32 s4, s19  }
0x9c: {  	s7 =	simm.s32 $0x0;
	s20 =	sshll.u32 s5, $0x1;
	s5 =	sadd.s32 s21, s3  }
0x9d: {  	[timem:s7], [sflag:s22] =	dma.local [hbm:s5], s20  }
0x9e: {  	_ =	swait.ge [sflag:s22], s20  }
0x9f: {  	s4 =	ssub.s32 $0x0, s20;
	[sflag:s22] =	ssyncset.done $0x0  }
0xa0: {  	[sflag:s22] =	ssyncadd.s32 s4;
	_ =	sdelay $0x1  }
0xa1: {  	s23 =	simm.s32 $0x1B8B  }
0xa2: {  	_ =	swait.ge [sflag:s23], $0x1  }
0xa3: {  	[sflag:s23] =	ssyncset.done $0x0  }
0xa4: {  	s25 =	simm.s32 $0x1B8E;
	s24 =	sld [smem:$0x3FFE];
	[sflag:s23] =	ssyncadd.s32 $0xFFFFFFFF  }
0xa5: {  	s26 =	simm.s32 $execute0_lowered;
	[smem:$0x3FD2] =	sst s25  }
0xa6: {  	s5 =	sshll.u32 s26, $0x1;
	_ =	strace $0x80000046;
	[dreg:$0x1] =	wrdreg $0xFFFFFFFF  }
0xa7: {  	s28 =	simm.s32 $_size_execute0_lowered;
	s3 =	sadd.s32 s3, s5;
	[dreg:$0x0] =	wrdreg $0x0  }
0xa8: {  	s5 =	sshll.u32 s28, $0x1;
	[dreg:$0x2] =	wrdreg s3  }
0xa9: {  	[dreg:$0x3] =	wrdreg s5  }
0xaa: {  	[dreg:$0x4] =	wrdreg $0xC0  }
0xab: {  	_ =	task [dreg:s7], $0x5FFFF  }
0xac: {  	[dreg:$0x1] =	wrdreg $0xFFFFFFFF  }
0xad: {  	[dreg:$0x0] =	wrdreg $0x60  }
0xae: {  	[dreg:$0x2] =	wrdreg s2  }
0xaf: {  	[dreg:$0x3] =	wrdreg s24  }
0xb0: {  	[dreg:$0x4] =	wrdreg $0x9  }
0xb1: {  	_ =	task.clear_ibuf [dreg:s7], $0x5FFFF;
	_ =	strace $0x90000046  }
0xb2: {  	s29 =	simm.s32 $0x9;
	_ =	strace $0x80000048  }
0xb3: {  	_ =	swait.ge [sflag:s29], $0x1  }
0xb4: {  	[sflag:s29] =	ssyncadd.s32 $0xFFFFFFFF  }
0xb5: {  	_ =	strace $0x90000048  }
0xb6: {  	_ =	sfence  }
0xb7: {  	s30 =	sld [smem:$0x0];
	_ =	sdelay $0x2  }
0xb8: {  	s31 =	sshll.u32 s1, $0xD;
	s1 =	sshrl.u32 s1, $0x2  }
0xb9: {  	s3 =	sand.u32 $0x4000, s31;
	s1 =	sadd.s32 s1, s30  }
0xba: {  	s0 =	sor.u32 s3, s0;
	s1 =	sshll.u32 s1, $0x11  }
0xbb: {  	s0 =	sor.u32 s1, s0  }
0xbc: {  	s0 =	sadd.s32 $0x8F2B, s0  }
0xbd: {  	[sflag:s0] =	ssyncadd.remote.s32 $0x1  }
0xbe: {  	_ =	sfence.sel $0xFFFF  }
0xbf: {  	[dreg:$0x0] =	wrdreg $0xFFFFFFFF;
	(pc) =	sbr.abs _section_cstart, $3  }
0xc0: {  	[dreg:$0x1] =	wrdreg $0xFFFFFFFF  }
0xc1: {  	_ =	task.clear_ibuf [dreg:s7], $0x2FFFF;
	_ =	strace $0x9FFFFFFF  }
0xc2: {  	(tm) =	ssettm $0x7FFFFFFF  }
0xc3: {  	_ =	shalt  }
tec
execute0_lowered:
.L_overlay_start_1:
0x0: {  	(tag) =	ssettag $0x1  }
0x1: {  	s3 =	rddreg [dreg:$0x0]  }
0x2: {  	s4 =	rddreg [dreg:$0x1];
	s2 =	srdreg.scid  }
0x3: {  	s0 =	rddreg [dreg:$0x2];
	s1 =	stileid.u32;
	s9 =	simm.s32 $0x10000  }
0x4: {  	s10 =	simm.s32 $0x0;
	s5 =	sand.u32 $0x1, s2;
	s2 =	simm.s32 $0x0  }
0x5: {  	s6 =	sshll.u32 s1, $0xD;
	s7 =	sshll.u32 s5, $0xC;
	s5 =	ssub.s32 $0x2, s5  }
0x6: {  	[smem:$0x7FF] =	sst s2;
	s6 =	sor.u32 s7, s6;
	s31 =	sshrl.u32 s5, $0x1  }
0x7: {  	_ =	strace $0x80000047;
	s7 =	sadd.s32 s6, s4;
	s8 =	ssub.s32 s5, s31  }
0x8: {  	s3 =	sadd.s32 s3, s6;
	s4 =	sadd.s32 $0x800, s7;
	s5 =	sadd.s32 $0x20800, s7  }
0x9: {  	s6 =	smax.u32 s8, $0x1;
	s7 =	simm.s32 $0x1;
	s8 =	simm.s32 $0x8000  }
.LBB2_1:
0xa: {  	[tilespmem:s2], [sflag:$0x1] =	stream.linear.gather [hbm4b:s3+s2], $0x8000, $0x38;
	[tilespmem:$0x18000] =	vst v63  }
0xb: {  	_ =	swait.ge [sflag:s7], $0x8000  }
0xc: {  	[sflag:s7] =	ssyncset.done $0x0  }
0xd: {  	[sflag:s7] =	ssyncadd.s32 $0xFFFF8000  }
0xe: {  	[tilespmem:s8], [sflag:$0x1] =	stream.linear.gather [hbm4b:s4+s2], $0x8000, $0x38;
	[tilespmem:$0x18000] =	vst v63  }
0xf: {  	_ =	swait.ge [sflag:s7], $0x8000  }
0x10: {  	s11 =	simm.s32 $0x0;
	s12 =	simm.s32 $0x0;
	[sflag:s7] =	ssyncset.done $0x0  }
0x11: {  	s13 =	simm.s32 $0x0;
	s14 =	simm.s32 $0x0;
	[sflag:s7] =	ssyncadd.s32 $0xFFFF8000  }
.LBB2_2:
0x12: {  	s15 =	sand.u32 $0x6000, s12;
	s16 =	sand.u32 $0x380, s13  }
0x13: {  	s15 =	sor.u32 s16, s15  }
0x14: {  	v1 =	vld [tilespmem:s15+$0x8000];
	_ =	sdelay $0x3  }
0x15: {  	v2 =	vmov s14  }
0x16: {  	v0 =	vshll.u32 v2, $0xA;
	v3 =	vshll.u32 v1, $0x3  }
0x17: {  	v0 =	vand.u32 $0x6000, v0;
	v4 =	vld [tilespmem:s15+$0x8010];
	v3 =	vand.u32 $0xFFFFFC00, v3  }
0x18: {  	v60 =	vshll.u32 v2, $0x7;
	v5 =	vand.u32 $0x7F, v1;
	v3 =	vadd.s32 v0, v3  }
0x19: {  	v1 =	vand.u32 $0x380, v60;
	v61 =	vor.u32 v5, v3  }
0x1a: {  	v2 =	vor.u32 v1, v61;
	_ =	sdelay $0x1  }
0x1b: {  	v62 =	vshll.u32 v4, $0x3  }
0x1c: {  	v63 =	vld [tilespmem:s15+$0x8020];
	v3 =	vand.u32 $0xFFFFFC00, v62  }
0x1d: {  	v4 =	vand.u32 $0x7F, v4;
	v3 =	vadd.s32 v0, v3  }
0x1e: {  	v3 =	vor.u32 v4, v3;
	v2 =	vld.idx.msk [tilespmem:v2+s2+$0x0], $0xffff  }
0x1f: {  	v3 =	vor.u32 v1, v3;
	_ =	sdelay $0x1  }
0x20: {  	v8 =	vshll.u32 v63, $0x3  }
0x21: {  	v6 =	vld [tilespmem:s15+$0x8030];
	v4 =	vand.u32 $0xFFFFFC00, v8  }
0x22: {  	v9 =	vand.u32 $0x7F, v63;
	v4 =	vadd.s32 v0, v4;
	[tilespmem:s15+$0x10000] =	vst v2  }
0x23: {  	v2 =	vor.u32 v9, v4;
	v3 =	vld.idx.msk [tilespmem:v3+s2+$0x0], $0xffff  }
0x24: {  	v2 =	vor.u32 v1, v2;
	_ =	sdelay $0x1  }
0x25: {  	v10 =	vshll.u32 v6, $0x3  }
0x26: {  	v11 =	vld [tilespmem:s15+$0x8040];
	v4 =	vand.u32 $0xFFFFFC00, v10  }
0x27: {  	v12 =	vand.u32 $0x7F, v6;
	v4 =	vadd.s32 v0, v4;
	[tilespmem:s15+$0x10010] =	vst v3  }
0x28: {  	v3 =	vor.u32 v12, v4;
	v2 =	vld.idx.msk [tilespmem:v2+s2+$0x0], $0xffff  }
0x29: {  	v3 =	vor.u32 v1, v3;
	_ =	sdelay $0x1  }
0x2a: {  	v13 =	vshll.u32 v11, $0x3  }
0x2b: {  	v14 =	vld [tilespmem:s15+$0x8050];
	v4 =	vand.u32 $0xFFFFFC00, v13  }
0x2c: {  	v15 =	vand.u32 $0x7F, v11;
	v4 =	vadd.s32 v0, v4;
	[tilespmem:s15+$0x10020] =	vst v2  }
0x2d: {  	v2 =	vor.u32 v15, v4;
	v3 =	vld.idx.msk [tilespmem:v3+s2+$0x0], $0xffff  }
0x2e: {  	v2 =	vor.u32 v1, v2;
	_ =	sdelay $0x1  }
0x2f: {  	v16 =	vshll.u32 v14, $0x3  }
0x30: {  	v17 =	vld [tilespmem:s15+$0x8060];
	v4 =	vand.u32 $0xFFFFFC00, v16  }
0x31: {  	v18 =	vand.u32 $0x7F, v14;
	v4 =	vadd.s32 v0, v4;
	[tilespmem:s15+$0x10030] =	vst v3  }
0x32: {  	v3 =	vor.u32 v18, v4;
	v2 =	vld.idx.msk [tilespmem:v2+s2+$0x0], $0xffff  }
0x33: {  	v3 =	vor.u32 v1, v3;
	_ =	sdelay $0x1  }
0x34: {  	v19 =	vshll.u32 v17, $0x3  }
0x35: {  	v20 =	vld [tilespmem:s15+$0x8070];
	v4 =	vand.u32 $0xFFFFFC00, v19  }
0x36: {  	v21 =	vand.u32 $0x7F, v17;
	v4 =	vadd.s32 v0, v4;
	[tilespmem:s15+$0x10040] =	vst v2  }
0x37: {  	v2 =	vor.u32 v21, v4;
	v3 =	vld.idx.msk [tilespmem:v3+s2+$0x0], $0xffff  }
0x38: {  	v2 =	vor.u32 v1, v2;
	_ =	sdelay $0x1  }
0x39: {  	v22 =	vshll.u32 v20, $0x3  }
0x3a: {  	v23 =	vld [tilespmem:s15+$0x8400];
	v4 =	vand.u32 $0xFFFFFC00, v22  }
0x3b: {  	v24 =	vand.u32 $0x7F, v20;
	v4 =	vadd.s32 v0, v4;
	[tilespmem:s15+$0x10050] =	vst v3  }
0x3c: {  	v3 =	vor.u32 v24, v4;
	v2 =	vld.idx.msk [tilespmem:v2+s2+$0x0], $0xffff  }
0x3d: {  	v3 =	vor.u32 v1, v3;
	_ =	sdelay $0x1  }
0x3e: {  	v25 =	vshll.u32 v23, $0x3  }
0x3f: {  	v26 =	vld [tilespmem:s15+$0x8410];
	v4 =	vand.u32 $0xFFFFFC00, v25  }
0x40: {  	v27 =	vand.u32 $0x7F, v23;
	v4 =	vadd.s32 v0, v4;
	[tilespmem:s15+$0x10060] =	vst v2  }
0x41: {  	v2 =	vor.u32 v27, v4;
	v3 =	vld.idx.msk [tilespmem:v3+s2+$0x0], $0xffff  }
0x42: {  	v2 =	vor.u32 v1, v2;
	_ =	sdelay $0x1  }
0x43: {  	v28 =	vshll.u32 v26, $0x3  }
0x44: {  	v29 =	vld [tilespmem:s15+$0x8420];
	v4 =	vand.u32 $0xFFFFFC00, v28  }
0x45: {  	v30 =	vand.u32 $0x7F, v26;
	v4 =	vadd.s32 v0, v4;
	[tilespmem:s15+$0x10070] =	vst v3  }
0x46: {  	v3 =	vor.u32 v30, v4;
	v2 =	vld.idx.msk [tilespmem:v2+s2+$0x0], $0xffff  }
0x47: {  	v3 =	vor.u32 v1, v3;
	_ =	sdelay $0x1  }
0x48: {  	v31 =	vshll.u32 v29, $0x3  }
0x49: {  	v32 =	vld [tilespmem:s15+$0x8430];
	v4 =	vand.u32 $0xFFFFFC00, v31  }
0x4a: {  	v33 =	vand.u32 $0x7F, v29;
	v4 =	vadd.s32 v0, v4;
	[tilespmem:s15+$0x10400] =	vst v2  }
0x4b: {  	v2 =	vor.u32 v33, v4;
	v3 =	vld.idx.msk [tilespmem:v3+s2+$0x0], $0xffff  }
0x4c: {  	v2 =	vor.u32 v1, v2;
	_ =	sdelay $0x1  }
0x4d: {  	v34 =	vshll.u32 v32, $0x3  }
0x4e: {  	v35 =	vld [tilespmem:s15+$0x8440];
	v4 =	vand.u32 $0xFFFFFC00, v34  }
0x4f: {  	v36 =	vand.u32 $0x7F, v32;
	v4 =	vadd.s32 v0, v4;
	[tilespmem:s15+$0x10410] =	vst v3  }
0x50: {  	v3 =	vor.u32 v36, v4;
	v2 =	vld.idx.msk [tilespmem:v2+s2+$0x0], $0xffff  }
0x51: {  	v3 =	vor.u32 v1, v3;
	_ =	sdelay $0x1  }
0x52: {  	v37 =	vshll.u32 v35, $0x3  }
0x53: {  	v38 =	vld [tilespmem:s15+$0x8450];
	v4 =	vand.u32 $0xFFFFFC00, v37  }
0x54: {  	v39 =	vand.u32 $0x7F, v35;
	v4 =	vadd.s32 v0, v4;
	[tilespmem:s15+$0x10420] =	vst v2  }
0x55: {  	v2 =	vor.u32 v39, v4;
	v3 =	vld.idx.msk [tilespmem:v3+s2+$0x0], $0xffff  }
0x56: {  	v2 =	vor.u32 v1, v2;
	_ =	sdelay $0x1  }
0x57: {  	v40 =	vshll.u32 v38, $0x3  }
0x58: {  	v41 =	vld [tilespmem:s15+$0x8460];
	v4 =	vand.u32 $0xFFFFFC00, v40  }
0x59: {  	v42 =	vand.u32 $0x7F, v38;
	v4 =	vadd.s32 v0, v4;
	[tilespmem:s15+$0x10430] =	vst v3  }
0x5a: {  	v3 =	vor.u32 v42, v4;
	v2 =	vld.idx.msk [tilespmem:v2+s2+$0x0], $0xffff  }
0x5b: {  	v3 =	vor.u32 v1, v3;
	_ =	sdelay $0x1  }
0x5c: {  	v43 =	vshll.u32 v41, $0x3  }
0x5d: {  	v44 =	vld [tilespmem:s15+$0x8470];
	v4 =	vand.u32 $0xFFFFFC00, v43  }
0x5e: {  	v45 =	vand.u32 $0x7F, v41;
	v4 =	vadd.s32 v0, v4;
	[tilespmem:s15+$0x10440] =	vst v2  }
0x5f: {  	v2 =	vor.u32 v45, v4;
	v3 =	vld.idx.msk [tilespmem:v3+s2+$0x0], $0xffff  }
0x60: {  	v2 =	vor.u32 v1, v2;
	_ =	sdelay $0x1  }
0x61: {  	v46 =	vshll.u32 v44, $0x3  }
0x62: {  	v47 =	vld [tilespmem:s15+$0x8800];
	v4 =	vand.u32 $0xFFFFFC00, v46  }
0x63: {  	v48 =	vand.u32 $0x7F, v44;
	v4 =	vadd.s32 v0, v4;
	[tilespmem:s15+$0x10450] =	vst v3  }
0x64: {  	v3 =	vor.u32 v48, v4;
	v2 =	vld.idx.msk [tilespmem:v2+s2+$0x0], $0xffff  }
0x65: {  	v3 =	vor.u32 v1, v3;
	_ =	sdelay $0x1  }
0x66: {  	v49 =	vshll.u32 v47, $0x3  }
0x67: {  	v50 =	vld [tilespmem:s15+$0x8810];
	v4 =	vand.u32 $0xFFFFFC00, v49  }
0x68: {  	v51 =	vand.u32 $0x7F, v47;
	v4 =	vadd.s32 v0, v4;
	[tilespmem:s15+$0x10460] =	vst v2  }
0x69: {  	v2 =	vor.u32 v51, v4;
	v3 =	vld.idx.msk [tilespmem:v3+s2+$0x0], $0xffff  }
0x6a: {  	v2 =	vor.u32 v1, v2;
	_ =	sdelay $0x1  }
0x6b: {  	v52 =	vshll.u32 v50, $0x3  }
0x6c: {  	v53 =	vld [tilespmem:s15+$0x8820];
	v4 =	vand.u32 $0xFFFFFC00, v52  }
0x6d: {  	v54 =	vand.u32 $0x7F, v50;
	v4 =	vadd.s32 v0, v4;
	[tilespmem:s15+$0x10470] =	vst v3  }
0x6e: {  	v3 =	vor.u32 v54, v4;
	v2 =	vld.idx.msk [tilespmem:v2+s2+$0x0], $0xffff  }
0x6f: {  	v3 =	vor.u32 v1, v3;
	_ =	sdelay $0x1  }
0x70: {  	v55 =	vshll.u32 v53, $0x3  }
0x71: {  	v56 =	vld [tilespmem:s15+$0x8830];
	v4 =	vand.u32 $0xFFFFFC00, v55  }
0x72: {  	v57 =	vand.u32 $0x7F, v53;
	v4 =	vadd.s32 v0, v4;
	[tilespmem:s15+$0x10800] =	vst v2  }
0x73: {  	v2 =	vor.u32 v57, v4;
	v3 =	vld.idx.msk [tilespmem:v3+s2+$0x0], $0xffff  }
0x74: {  	v2 =	vor.u32 v1, v2;
	_ =	sdelay $0x1  }
0x75: {  	v58 =	vshll.u32 v56, $0x3  }
0x76: {  	v59 =	vld [tilespmem:s15+$0x8840];
	v4 =	vand.u32 $0xFFFFFC00, v58  }
0x77: {  	v60 =	vand.u32 $0x7F, v56;
	v4 =	vadd.s32 v0, v4;
	[tilespmem:s15+$0x10810] =	vst v3  }
0x78: {  	v3 =	vor.u32 v60, v4;
	v2 =	vld.idx.msk [tilespmem:v2+s2+$0x0], $0xffff  }
0x79: {  	v3 =	vor.u32 v1, v3;
	_ =	sdelay $0x1  }
0x7a: {  	v61 =	vshll.u32 v59, $0x3  }
0x7b: {  	v62 =	vld [tilespmem:s15+$0x8850];
	v4 =	vand.u32 $0xFFFFFC00, v61  }
0x7c: {  	v63 =	vand.u32 $0x7F, v59;
	v4 =	vadd.s32 v0, v4;
	[tilespmem:s15+$0x10820] =	vst v2  }
0x7d: {  	v2 =	vor.u32 v63, v4;
	v3 =	vld.idx.msk [tilespmem:v3+s2+$0x0], $0xffff  }
0x7e: {  	v2 =	vor.u32 v1, v2;
	_ =	sdelay $0x1  }
0x7f: {  	v8 =	vshll.u32 v62, $0x3  }
0x80: {  	v9 =	vld [tilespmem:s15+$0x8860];
	v4 =	vand.u32 $0xFFFFFC00, v8  }
0x81: {  	v10 =	vand.u32 $0x7F, v62;
	v4 =	vadd.s32 v0, v4;
	[tilespmem:s15+$0x10830] =	vst v3  }
0x82: {  	v3 =	vor.u32 v10, v4;
	v2 =	vld.idx.msk [tilespmem:v2+s2+$0x0], $0xffff  }
0x83: {  	v3 =	vor.u32 v1, v3;
	_ =	sdelay $0x1  }
0x84: {  	v11 =	vshll.u32 v9, $0x3  }
0x85: {  	v12 =	vld [tilespmem:s15+$0x8870];
	v4 =	vand.u32 $0xFFFFFC00, v11  }
0x86: {  	v13 =	vand.u32 $0x7F, v9;
	v4 =	vadd.s32 v0, v4;
	[tilespmem:s15+$0x10840] =	vst v2  }
0x87: {  	v2 =	vor.u32 v13, v4;
	v3 =	vld.idx.msk [tilespmem:v3+s2+$0x0], $0xffff  }
0x88: {  	v2 =	vor.u32 v1, v2;
	_ =	sdelay $0x1  }
0x89: {  	v14 =	vshll.u32 v12, $0x3  }
0x8a: {  	v15 =	vld [tilespmem:s15+$0x8C00];
	v4 =	vand.u32 $0xFFFFFC00, v14  }
0x8b: {  	v16 =	vand.u32 $0x7F, v12;
	v4 =	vadd.s32 v0, v4;
	[tilespmem:s15+$0x10850] =	vst v3  }
0x8c: {  	v3 =	vor.u32 v16, v4;
	v2 =	vld.idx.msk [tilespmem:v2+s2+$0x0], $0xffff  }
0x8d: {  	v3 =	vor.u32 v1, v3;
	_ =	sdelay $0x1  }
0x8e: {  	v17 =	vshll.u32 v15, $0x3  }
0x8f: {  	v18 =	vld [tilespmem:s15+$0x8C10];
	v4 =	vand.u32 $0xFFFFFC00, v17  }
0x90: {  	v19 =	vand.u32 $0x7F, v15;
	v4 =	vadd.s32 v0, v4;
	[tilespmem:s15+$0x10860] =	vst v2  }
0x91: {  	v2 =	vor.u32 v19, v4;
	v3 =	vld.idx.msk [tilespmem:v3+s2+$0x0], $0xffff  }
0x92: {  	v2 =	vor.u32 v1, v2;
	_ =	sdelay $0x1  }
0x93: {  	v20 =	vshll.u32 v18, $0x3  }
0x94: {  	v21 =	vld [tilespmem:s15+$0x8C20];
	v4 =	vand.u32 $0xFFFFFC00, v20  }
0x95: {  	v22 =	vand.u32 $0x7F, v18;
	v4 =	vadd.s32 v0, v4;
	[tilespmem:s15+$0x10870] =	vst v3  }
0x96: {  	v3 =	vor.u32 v22, v4;
	v2 =	vld.idx.msk [tilespmem:v2+s2+$0x0], $0xffff  }
0x97: {  	v3 =	vor.u32 v1, v3;
	_ =	sdelay $0x1  }
0x98: {  	v23 =	vshll.u32 v21, $0x3  }
0x99: {  	v24 =	vld [tilespmem:s15+$0x8C30];
	v4 =	vand.u32 $0xFFFFFC00, v23  }
0x9a: {  	v25 =	vand.u32 $0x7F, v21;
	v4 =	vadd.s32 v0, v4;
	[tilespmem:s15+$0x10C00] =	vst v2  }
0x9b: {  	v2 =	vor.u32 v25, v4;
	v3 =	vld.idx.msk [tilespmem:v3+s2+$0x0], $0xffff  }
0x9c: {  	v2 =	vor.u32 v1, v2;
	_ =	sdelay $0x1  }
0x9d: {  	v26 =	vshll.u32 v24, $0x3  }
0x9e: {  	v27 =	vld [tilespmem:s15+$0x8C40];
	v4 =	vand.u32 $0xFFFFFC00, v26  }
0x9f: {  	v28 =	vand.u32 $0x7F, v24;
	v4 =	vadd.s32 v0, v4;
	[tilespmem:s15+$0x10C10] =	vst v3  }
0xa0: {  	v3 =	vor.u32 v28, v4;
	v2 =	vld.idx.msk [tilespmem:v2+s2+$0x0], $0xffff  }
0xa1: {  	v3 =	vor.u32 v1, v3;
	_ =	sdelay $0x1  }
0xa2: {  	v29 =	vshll.u32 v27, $0x3  }
0xa3: {  	v30 =	vld [tilespmem:s15+$0x8C50];
	v4 =	vand.u32 $0xFFFFFC00, v29  }
0xa4: {  	v31 =	vand.u32 $0x7F, v27;
	v4 =	vadd.s32 v0, v4;
	[tilespmem:s15+$0x10C20] =	vst v2  }
0xa5: {  	v2 =	vor.u32 v31, v4;
	v3 =	vld.idx.msk [tilespmem:v3+s2+$0x0], $0xffff  }
0xa6: {  	v2 =	vor.u32 v1, v2;
	_ =	sdelay $0x1  }
0xa7: {  	v32 =	vshll.u32 v30, $0x3  }
0xa8: {  	v33 =	vld [tilespmem:s15+$0x8C60];
	v4 =	vand.u32 $0xFFFFFC00, v32  }
0xa9: {  	v34 =	vand.u32 $0x7F, v30;
	v4 =	vadd.s32 v0, v4;
	[tilespmem:s15+$0x10C30] =	vst v3  }
0xaa: {  	v3 =	vor.u32 v34, v4;
	v2 =	vld.idx.msk [tilespmem:v2+s2+$0x0], $0xffff  }
0xab: {  	v3 =	vor.u32 v1, v3;
	_ =	sdelay $0x1  }
0xac: {  	v35 =	vshll.u32 v33, $0x3  }
0xad: {  	v36 =	vld [tilespmem:s15+$0x8C70];
	v4 =	vand.u32 $0xFFFFFC00, v35  }
0xae: {  	v37 =	vand.u32 $0x7F, v33;
	v4 =	vadd.s32 v0, v4;
	[tilespmem:s15+$0x10C40] =	vst v2  }
0xaf: {  	v2 =	vor.u32 v37, v4;
	v3 =	vld.idx.msk [tilespmem:v3+s2+$0x0], $0xffff  }
0xb0: {  	v2 =	vor.u32 v1, v2;
	_ =	sdelay $0x1  }
0xb1: {  	v38 =	vshll.u32 v36, $0x3  }
0xb2: {  	v39 =	vld [tilespmem:s15+$0x9000];
	v4 =	vand.u32 $0xFFFFFC00, v38  }
0xb3: {  	v40 =	vand.u32 $0x7F, v36;
	v4 =	vadd.s32 v0, v4;
	[tilespmem:s15+$0x10C50] =	vst v3  }
0xb4: {  	v3 =	vor.u32 v40, v4;
	v2 =	vld.idx.msk [tilespmem:v2+s2+$0x0], $0xffff  }
0xb5: {  	v3 =	vor.u32 v1, v3;
	_ =	sdelay $0x1  }
0xb6: {  	v41 =	vshll.u32 v39, $0x3  }
0xb7: {  	v42 =	vld [tilespmem:s15+$0x9010];
	v4 =	vand.u32 $0xFFFFFC00, v41  }
0xb8: {  	v43 =	vand.u32 $0x7F, v39;
	v4 =	vadd.s32 v0, v4;
	[tilespmem:s15+$0x10C60] =	vst v2  }
0xb9: {  	v2 =	vor.u32 v43, v4;
	v3 =	vld.idx.msk [tilespmem:v3+s2+$0x0], $0xffff  }
0xba: {  	v2 =	vor.u32 v1, v2;
	_ =	sdelay $0x1  }
0xbb: {  	v44 =	vshll.u32 v42, $0x3  }
0xbc: {  	v45 =	vld [tilespmem:s15+$0x9020];
	v4 =	vand.u32 $0xFFFFFC00, v44  }
0xbd: {  	v46 =	vand.u32 $0x7F, v42;
	v4 =	vadd.s32 v0, v4;
	[tilespmem:s15+$0x10C70] =	vst v3  }
0xbe: {  	v3 =	vor.u32 v46, v4;
	v2 =	vld.idx.msk [tilespmem:v2+s2+$0x0], $0xffff  }
0xbf: {  	v3 =	vor.u32 v1, v3;
	_ =	sdelay $0x1  }
0xc0: {  	v47 =	vshll.u32 v45, $0x3  }
0xc1: {  	v48 =	vld [tilespmem:s15+$0x9030];
	v4 =	vand.u32 $0xFFFFFC00, v47  }
0xc2: {  	v49 =	vand.u32 $0x7F, v45;
	v4 =	vadd.s32 v0, v4;
	[tilespmem:s15+$0x11000] =	vst v2  }
0xc3: {  	v2 =	vor.u32 v49, v4;
	v3 =	vld.idx.msk [tilespmem:v3+s2+$0x0], $0xffff  }
0xc4: {  	v2 =	vor.u32 v1, v2;
	_ =	sdelay $0x1  }
0xc5: {  	v50 =	vshll.u32 v48, $0x3  }
0xc6: {  	v51 =	vld [tilespmem:s15+$0x9040];
	v4 =	vand.u32 $0xFFFFFC00, v50  }
0xc7: {  	v52 =	vand.u32 $0x7F, v48;
	v4 =	vadd.s32 v0, v4;
	[tilespmem:s15+$0x11010] =	vst v3  }
0xc8: {  	v3 =	vor.u32 v52, v4;
	v2 =	vld.idx.msk [tilespmem:v2+s2+$0x0], $0xffff  }
0xc9: {  	v3 =	vor.u32 v1, v3;
	_ =	sdelay $0x1  }
0xca: {  	v53 =	vshll.u32 v51, $0x3  }
0xcb: {  	v54 =	vld [tilespmem:s15+$0x9050];
	v4 =	vand.u32 $0xFFFFFC00, v53  }
0xcc: {  	v55 =	vand.u32 $0x7F, v51;
	v4 =	vadd.s32 v0, v4;
	[tilespmem:s15+$0x11020] =	vst v2  }
0xcd: {  	v2 =	vor.u32 v55, v4;
	v3 =	vld.idx.msk [tilespmem:v3+s2+$0x0], $0xffff  }
0xce: {  	v2 =	vor.u32 v1, v2;
	_ =	sdelay $0x1  }
0xcf: {  	v56 =	vshll.u32 v54, $0x3  }
0xd0: {  	v57 =	vld [tilespmem:s15+$0x9060];
	v4 =	vand.u32 $0xFFFFFC00, v56  }
0xd1: {  	v58 =	vand.u32 $0x7F, v54;
	v4 =	vadd.s32 v0, v4;
	[tilespmem:s15+$0x11030] =	vst v3  }
0xd2: {  	v3 =	vor.u32 v58, v4;
	v2 =	vld.idx.msk [tilespmem:v2+s2+$0x0], $0xffff  }
0xd3: {  	v3 =	vor.u32 v1, v3;
	_ =	sdelay $0x1  }
0xd4: {  	v59 =	vshll.u32 v57, $0x3  }
0xd5: {  	v60 =	vld [tilespmem:s15+$0x9070];
	v4 =	vand.u32 $0xFFFFFC00, v59  }
0xd6: {  	v61 =	vand.u32 $0x7F, v57;
	v4 =	vadd.s32 v0, v4;
	[tilespmem:s15+$0x11040] =	vst v2  }
0xd7: {  	v2 =	vor.u32 v61, v4;
	v3 =	vld.idx.msk [tilespmem:v3+s2+$0x0], $0xffff  }
0xd8: {  	v2 =	vor.u32 v1, v2;
	_ =	sdelay $0x1  }
0xd9: {  	v62 =	vshll.u32 v60, $0x3  }
0xda: {  	v63 =	vld [tilespmem:s15+$0x9400];
	v4 =	vand.u32 $0xFFFFFC00, v62  }
0xdb: {  	v8 =	vand.u32 $0x7F, v60;
	v4 =	vadd.s32 v0, v4;
	[tilespmem:s15+$0x11050] =	vst v3  }
0xdc: {  	v3 =	vor.u32 v8, v4;
	v2 =	vld.idx.msk [tilespmem:v2+s2+$0x0], $0xffff  }
0xdd: {  	v3 =	vor.u32 v1, v3;
	_ =	sdelay $0x1  }
0xde: {  	v9 =	vshll.u32 v63, $0x3  }
0xdf: {  	v10 =	vld [tilespmem:s15+$0x9410];
	v4 =	vand.u32 $0xFFFFFC00, v9  }
0xe0: {  	v11 =	vand.u32 $0x7F, v63;
	v4 =	vadd.s32 v0, v4;
	[tilespmem:s15+$0x11060] =	vst v2  }
0xe1: {  	v2 =	vor.u32 v11, v4;
	v3 =	vld.idx.msk [tilespmem:v3+s2+$0x0], $0xffff  }
0xe2: {  	v2 =	vor.u32 v1, v2;
	_ =	sdelay $0x1  }
0xe3: {  	v12 =	vshll.u32 v10, $0x3  }
0xe4: {  	v13 =	vld [tilespmem:s15+$0x9420];
	v4 =	vand.u32 $0xFFFFFC00, v12  }
0xe5: {  	v14 =	vand.u32 $0x7F, v10;
	v4 =	vadd.s32 v0, v4;
	[tilespmem:s15+$0x11070] =	vst v3  }
0xe6: {  	v3 =	vor.u32 v14, v4;
	v2 =	vld.idx.msk [tilespmem:v2+s2+$0x0], $0xffff  }
0xe7: {  	v3 =	vor.u32 v1, v3;
	_ =	sdelay $0x1  }
0xe8: {  	v15 =	vshll.u32 v13, $0x3  }
0xe9: {  	v16 =	vld [tilespmem:s15+$0x9430];
	v4 =	vand.u32 $0xFFFFFC00, v15  }
0xea: {  	v17 =	vand.u32 $0x7F, v13;
	v4 =	vadd.s32 v0, v4;
	[tilespmem:s15+$0x11400] =	vst v2  }
0xeb: {  	v2 =	vor.u32 v17, v4;
	v3 =	vld.idx.msk [tilespmem:v3+s2+$0x0], $0xffff  }
0xec: {  	v2 =	vor.u32 v1, v2;
	_ =	sdelay $0x1  }
0xed: {  	v18 =	vshll.u32 v16, $0x3  }
0xee: {  	v19 =	vld [tilespmem:s15+$0x9440];
	v4 =	vand.u32 $0xFFFFFC00, v18  }
0xef: {  	v20 =	vand.u32 $0x7F, v16;
	v4 =	vadd.s32 v0, v4;
	[tilespmem:s15+$0x11410] =	vst v3  }
0xf0: {  	v3 =	vor.u32 v20, v4;
	v2 =	vld.idx.msk [tilespmem:v2+s2+$0x0], $0xffff  }
0xf1: {  	v3 =	vor.u32 v1, v3;
	_ =	sdelay $0x1  }
0xf2: {  	v21 =	vshll.u32 v19, $0x3  }
0xf3: {  	v22 =	vld [tilespmem:s15+$0x9450];
	v4 =	vand.u32 $0xFFFFFC00, v21  }
0xf4: {  	v23 =	vand.u32 $0x7F, v19;
	v4 =	vadd.s32 v0, v4;
	[tilespmem:s15+$0x11420] =	vst v2  }
0xf5: {  	v2 =	vor.u32 v23, v4;
	v3 =	vld.idx.msk [tilespmem:v3+s2+$0x0], $0xffff  }
0xf6: {  	v2 =	vor.u32 v1, v2;
	_ =	sdelay $0x1  }
0xf7: {  	v24 =	vshll.u32 v22, $0x3  }
0xf8: {  	v25 =	vld [tilespmem:s15+$0x9460];
	v4 =	vand.u32 $0xFFFFFC00, v24  }
0xf9: {  	v26 =	vand.u32 $0x7F, v22;
	v4 =	vadd.s32 v0, v4;
	[tilespmem:s15+$0x11430] =	vst v3  }
0xfa: {  	v3 =	vor.u32 v26, v4;
	v2 =	vld.idx.msk [tilespmem:v2+s2+$0x0], $0xffff  }
0xfb: {  	v3 =	vor.u32 v1, v3;
	_ =	sdelay $0x1  }
0xfc: {  	v27 =	vshll.u32 v25, $0x3  }
0xfd: {  	v28 =	vld [tilespmem:s15+$0x9470];
	v4 =	vand.u32 $0xFFFFFC00, v27  }
0xfe: {  	v29 =	vand.u32 $0x7F, v25;
	v4 =	vadd.s32 v0, v4;
	[tilespmem:s15+$0x11440] =	vst v2  }
0xff: {  	v2 =	vor.u32 v29, v4;
	v3 =	vld.idx.msk [tilespmem:v3+s2+$0x0], $0xffff  }
0x100: {  	v2 =	vor.u32 v1, v2;
	_ =	sdelay $0x1  }
0x101: {  	v30 =	vshll.u32 v28, $0x3  }
0x102: {  	v31 =	vld [tilespmem:s15+$0x9800];
	v4 =	vand.u32 $0xFFFFFC00, v30  }
0x103: {  	v32 =	vand.u32 $0x7F, v28;
	v4 =	vadd.s32 v0, v4;
	[tilespmem:s15+$0x11450] =	vst v3  }
0x104: {  	v3 =	vor.u32 v32, v4;
	v2 =	vld.idx.msk [tilespmem:v2+s2+$0x0], $0xffff  }
0x105: {  	v3 =	vor.u32 v1, v3;
	_ =	sdelay $0x1  }
0x106: {  	v33 =	vshll.u32 v31, $0x3  }
0x107: {  	v34 =	vld [tilespmem:s15+$0x9810];
	v4 =	vand.u32 $0xFFFFFC00, v33  }
0x108: {  	v35 =	vand.u32 $0x7F, v31;
	v4 =	vadd.s32 v0, v4;
	[tilespmem:s15+$0x11460] =	vst v2  }
0x109: {  	v2 =	vor.u32 v35, v4;
	v3 =	vld.idx.msk [tilespmem:v3+s2+$0x0], $0xffff  }
0x10a: {  	v2 =	vor.u32 v1, v2;
	_ =	sdelay $0x1  }
0x10b: {  	v36 =	vshll.u32 v34, $0x3  }
0x10c: {  	v37 =	vld [tilespmem:s15+$0x9820];
	v4 =	vand.u32 $0xFFFFFC00, v36  }
0x10d: {  	v38 =	vand.u32 $0x7F, v34;
	v4 =	vadd.s32 v0, v4;
	[tilespmem:s15+$0x11470] =	vst v3  }
0x10e: {  	v3 =	vor.u32 v38, v4;
	v2 =	vld.idx.msk [tilespmem:v2+s2+$0x0], $0xffff  }
0x10f: {  	v3 =	vor.u32 v1, v3;
	_ =	sdelay $0x1  }
0x110: {  	v39 =	vshll.u32 v37, $0x3  }
0x111: {  	v40 =	vld [tilespmem:s15+$0x9830];
	v4 =	vand.u32 $0xFFFFFC00, v39  }
0x112: {  	v41 =	vand.u32 $0x7F, v37;
	v4 =	vadd.s32 v0, v4;
	[tilespmem:s15+$0x11800] =	vst v2  }
0x113: {  	v2 =	vor.u32 v41, v4;
	v3 =	vld.idx.msk [tilespmem:v3+s2+$0x0], $0xffff  }
0x114: {  	v2 =	vor.u32 v1, v2;
	_ =	sdelay $0x1  }
0x115: {  	v42 =	vshll.u32 v40, $0x3  }
0x116: {  	v43 =	vld [tilespmem:s15+$0x9840];
	v4 =	vand.u32 $0xFFFFFC00, v42  }
0x117: {  	v44 =	vand.u32 $0x7F, v40;
	v4 =	vadd.s32 v0, v4;
	[tilespmem:s15+$0x11810] =	vst v3  }
0x118: {  	v3 =	vor.u32 v44, v4;
	v2 =	vld.idx.msk [tilespmem:v2+s2+$0x0], $0xffff  }
0x119: {  	v3 =	vor.u32 v1, v3;
	_ =	sdelay $0x1  }
0x11a: {  	v45 =	vshll.u32 v43, $0x3  }
0x11b: {  	v46 =	vld [tilespmem:s15+$0x9850];
	v4 =	vand.u32 $0xFFFFFC00, v45  }
0x11c: {  	v47 =	vand.u32 $0x7F, v43;
	v4 =	vadd.s32 v0, v4;
	[tilespmem:s15+$0x11820] =	vst v2  }
0x11d: {  	v2 =	vor.u32 v47, v4;
	v3 =	vld.idx.msk [tilespmem:v3+s2+$0x0], $0xffff  }
0x11e: {  	v2 =	vor.u32 v1, v2;
	_ =	sdelay $0x1  }
0x11f: {  	v48 =	vshll.u32 v46, $0x3  }
0x120: {  	v49 =	vld [tilespmem:s15+$0x9860];
	v4 =	vand.u32 $0xFFFFFC00, v48  }
0x121: {  	v50 =	vand.u32 $0x7F, v46;
	v4 =	vadd.s32 v0, v4;
	[tilespmem:s15+$0x11830] =	vst v3  }
0x122: {  	v3 =	vor.u32 v50, v4;
	v2 =	vld.idx.msk [tilespmem:v2+s2+$0x0], $0xffff  }
0x123: {  	v3 =	vor.u32 v1, v3;
	_ =	sdelay $0x1  }
0x124: {  	v51 =	vshll.u32 v49, $0x3  }
0x125: {  	v52 =	vld [tilespmem:s15+$0x9870];
	v4 =	vand.u32 $0xFFFFFC00, v51  }
0x126: {  	v53 =	vand.u32 $0x7F, v49;
	v4 =	vadd.s32 v0, v4;
	[tilespmem:s15+$0x11840] =	vst v2  }
0x127: {  	v2 =	vor.u32 v53, v4;
	v3 =	vld.idx.msk [tilespmem:v3+s2+$0x0], $0xffff  }
0x128: {  	v2 =	vor.u32 v1, v2;
	_ =	sdelay $0x1  }
0x129: {  	v54 =	vshll.u32 v52, $0x3  }
0x12a: {  	v4 =	vand.u32 $0xFFFFFC00, v54  }
0x12b: {  	v55 =	vand.u32 $0x7F, v52;
	v4 =	vadd.s32 v0, v4;
	[tilespmem:s15+$0x11850] =	vst v3  }
0x12c: {  	v3 =	vor.u32 v55, v4;
	v2 =	vld.idx.msk [tilespmem:v2+s2+$0x0], $0xffff  }
0x12d: {  	v3 =	vor.u32 v1, v3;
	_ =	sdelay $0x3  }
0x12e: {  	[tilespmem:s15+$0x11860] =	vst v2  }
0x12f: {  	v2 =	vld.idx.msk [tilespmem:v3+s2+$0x0], $0xffff;
	_ =	sdelay $0x1  }
0x130: {  	s22 =	sand.u32 $0x7, s11  }
0x131: {  	s16 =	sshll.u32 s22, $0x7  }
0x132: {  	s16 =	sadd.s32 s16, s12  }
0x133: {  	s23 =	sor.u32 $0x1C00, s16;
	[tilespmem:s15+$0x11870] =	vst v2  }
0x134: {  	v2 =	vld [tilespmem:s23+$0x8000];
	_ =	sdelay $0x4  }
0x135: {  	v56 =	vshll.u32 v2, $0x3  }
0x136: {  	v3 =	vand.u32 $0xFFFFFC00, v56  }
0x137: {  	v2 =	vand.u32 $0x7F, v2;
	v3 =	vadd.s32 v0, v3  }
0x138: {  	v2 =	vor.u32 v2, v3  }
0x139: {  	v2 =	vor.u32 v1, v2;
	_ =	sdelay $0x4  }
0x13a: {  	v2 =	vld.idx.msk [tilespmem:v2+s2+$0x0], $0xffff;
	_ =	sdelay $0x4  }
0x13b: {  	s24 =	sor.u32 $0x1C10, s16;
	[tilespmem:s23+$0x10000] =	vst v2  }
0x13c: {  	v2 =	vld [tilespmem:s24+$0x8000];
	_ =	sdelay $0x4  }
0x13d: {  	v57 =	vshll.u32 v2, $0x3  }
0x13e: {  	v3 =	vand.u32 $0xFFFFFC00, v57  }
0x13f: {  	v2 =	vand.u32 $0x7F, v2;
	v3 =	vadd.s32 v0, v3  }
0x140: {  	v2 =	vor.u32 v2, v3  }
0x141: {  	v2 =	vor.u32 v1, v2;
	_ =	sdelay $0x4  }
0x142: {  	v2 =	vld.idx.msk [tilespmem:v2+s2+$0x0], $0xffff;
	_ =	sdelay $0x4  }
0x143: {  	s25 =	sor.u32 $0x1C20, s16;
	[tilespmem:s24+$0x10000] =	vst v2  }
0x144: {  	v2 =	vld [tilespmem:s25+$0x8000];
	_ =	sdelay $0x4  }
0x145: {  	v58 =	vshll.u32 v2, $0x3  }
0x146: {  	v3 =	vand.u32 $0xFFFFFC00, v58  }
0x147: {  	v2 =	vand.u32 $0x7F, v2;
	v3 =	vadd.s32 v0, v3  }
0x148: {  	v2 =	vor.u32 v2, v3  }
0x149: {  	v2 =	vor.u32 v1, v2;
	_ =	sdelay $0x4  }
0x14a: {  	v2 =	vld.idx.msk [tilespmem:v2+s2+$0x0], $0xffff;
	_ =	sdelay $0x4  }
0x14b: {  	s26 =	sor.u32 $0x1C30, s16;
	[tilespmem:s25+$0x10000] =	vst v2  }
0x14c: {  	v2 =	vld [tilespmem:s26+$0x8000];
	_ =	sdelay $0x4  }
0x14d: {  	v59 =	vshll.u32 v2, $0x3  }
0x14e: {  	v3 =	vand.u32 $0xFFFFFC00, v59  }
0x14f: {  	v2 =	vand.u32 $0x7F, v2;
	v3 =	vadd.s32 v0, v3  }
0x150: {  	v2 =	vor.u32 v2, v3  }
0x151: {  	v2 =	vor.u32 v1, v2;
	_ =	sdelay $0x4  }
0x152: {  	v2 =	vld.idx.msk [tilespmem:v2+s2+$0x0], $0xffff;
	_ =	sdelay $0x4  }
0x153: {  	s28 =	sor.u32 $0x1C40, s16;
	[tilespmem:s26+$0x10000] =	vst v2  }
0x154: {  	v2 =	vld [tilespmem:s28+$0x8000];
	_ =	sdelay $0x4  }
0x155: {  	v60 =	vshll.u32 v2, $0x3  }
0x156: {  	v3 =	vand.u32 $0xFFFFFC00, v60  }
0x157: {  	v2 =	vand.u32 $0x7F, v2;
	v3 =	vadd.s32 v0, v3  }
0x158: {  	v2 =	vor.u32 v2, v3  }
0x159: {  	v2 =	vor.u32 v1, v2;
	_ =	sdelay $0x4  }
0x15a: {  	v2 =	vld.idx.msk [tilespmem:v2+s2+$0x0], $0xffff;
	_ =	sdelay $0x4  }
0x15b: {  	s29 =	sor.u32 $0x1C50, s16;
	[tilespmem:s28+$0x10000] =	vst v2  }
0x15c: {  	v2 =	vld [tilespmem:s29+$0x8000];
	_ =	sdelay $0x4  }
0x15d: {  	v61 =	vshll.u32 v2, $0x3  }
0x15e: {  	v3 =	vand.u32 $0xFFFFFC00, v61  }
0x15f: {  	v2 =	vand.u32 $0x7F, v2;
	v3 =	vadd.s32 v0, v3  }
0x160: {  	v2 =	vor.u32 v2, v3  }
0x161: {  	v2 =	vor.u32 v1, v2;
	_ =	sdelay $0x4  }
0x162: {  	v2 =	vld.idx.msk [tilespmem:v2+s2+$0x0], $0xffff;
	_ =	sdelay $0x4  }
0x163: {  	s30 =	sor.u32 $0x1C60, s16;
	[tilespmem:s29+$0x10000] =	vst v2  }
0x164: {  	v2 =	vld [tilespmem:s30+$0x8000];
	_ =	sdelay $0x4  }
0x165: {  	v62 =	vshll.u32 v2, $0x3  }
0x166: {  	v3 =	vand.u32 $0xFFFFFC00, v62  }
0x167: {  	v2 =	vand.u32 $0x7F, v2;
	v3 =	vadd.s32 v0, v3  }
0x168: {  	v2 =	vor.u32 v2, v3  }
0x169: {  	v2 =	vor.u32 v1, v2;
	_ =	sdelay $0x4  }
0x16a: {  	v2 =	vld.idx.msk [tilespmem:v2+s2+$0x0], $0xffff;
	_ =	sdelay $0x4  }
0x16b: {  	s31 =	sor.u32 $0x1C70, s16;
	[tilespmem:s30+$0x10000] =	vst v2  }
0x16c: {  	v2 =	vld [tilespmem:s31+$0x8000];
	_ =	sdelay $0x4  }
0x16d: {  	v63 =	vshll.u32 v2, $0x3  }
0x16e: {  	v3 =	vand.u32 $0xFFFFFC00, v63  }
0x16f: {  	v2 =	vand.u32 $0x7F, v2;
	v0 =	vadd.s32 v0, v3  }
0x170: {  	v0 =	vor.u32 v2, v0  }
0x171: {  	v0 =	vor.u32 v1, v0;
	_ =	sdelay $0x4  }
0x172: {  	p0 =	sne.s32 s14, $0x1F;
	v0 =	vld.idx.msk [tilespmem:v0+s2+$0x0], $0xffff  }
.Ltmp0:
0x173: {  	_ = 	snop;
	(pc) =	sbr.rel @p0 .LBB2_2-.Ltmp0, $3  }
0x174: {  	_ =	sdelay $0x1  }
0x175: {  	s13 =	sadd.s32 $0x80, s13  }
0x176: {  	s11 =	sadd.s32 $0x1, s11;
	s14 =	sadd.s32 $0x1, s14;
	s12 =	sadd.s32 $0x400, s12;
	[tilespmem:s31+$0x10000] =	vst v0  }
0x177: {  	s10 =	sadd.s32 $0x1, s10  }
0x178: {  	p0 =	sne.s32 s10, s6  }
.Ltmp1:
0x179: {  	_ = 	snop;
	(pc) =	sbr.rel @p0 .LBB2_1-.Ltmp1, $4  }
0x17a: {  	[hbm4b:s5+s2] =	stream.linear.scatter [tilespmem:s9], [sflag:$0x1], $0x8000, $0x38;
	[tilespmem:$0x18000] =	vst v63  }
0x17b: {  	_ =	swait.ge [sflag:s7], $0x8000  }
0x17c: {  	[sflag:s7] =	ssyncset.done $0x0  }
0x17d: {  	[sflag:s7] =	ssyncadd.s32 $0xFFFF8000  }
0x17e: {  	_ =	sfence.sel $0x180000  }
0x17f: {  	[bflag:$0x0] =	sbarrier.arrive $0xFFFF  }
0x180: {  	p0 =	sne.s32 s1, $0x0;
	_ =	strace $0x90000047  }
0x181: {  	s0 =	sadd.s32 @!p0 $0x100000, s0;
	[bflag:$0x2] =	sbarrier.arrive $0xFFFF  }
0x182: {  	[sflag:s0] =	ssyncadd.tile.s32 @!p0 $0x1;
	_ =	shalt  }
.Lfunc_end2:
_tile_overlayer_lowered:
.L_overlay_start_2:
0x183: {  	(tag) =	ssettag $0x2  }
0x184: {  	s0 =	rddreg [dreg:$0x0];
	s2 =	stileid.u32  }
0x185: {  	s1 =	rddreg [dreg:$0x1];
	p0 =	sne.s32 s2, $0x0  }
0x186: {  	s3 =	rddreg [dreg:$0x2];
	[bflag:$0x3] =	sbarrier.arrive $0xFFFF;
	s2 =	simm.s32 @!p0 $0x1C01  }
0x187: {  	[timem:s3], [sflag:s2] =	dma.local @!p0 [hbm:s0], s1  }
0x188: {  	s0 =	simm.s32 @!p0 $0x1  }
0x189: {  	_ =	swait.ge @!p0 [sflag:s0], s1  }
0x18a: {  	s1 =	ssub.s32 @!p0 $0x0, s1;
	[sflag:s0] =	ssyncset.done @!p0 $0x0  }
0x18b: {  	[sflag:s0] =	ssyncadd.s32 @!p0 s1  }
0x18c: {  	[bflag:$0x3] =	sbarrier.arrive $0xFFFF  }
0x18d: {  	_ =	shalt  }

</sc_bundles>
